<compile_context>
chip_gen: v7x
topology: tpu7x:2x2x1
jax: 0.10.2.dev20260603
libtpu: 0.0.44.dev20260713+nightly
codegen_flags: <defaults>
</compile_context>

<pallas_src>
import functools

import jax
import jax.numpy as jnp
from jax import lax
from jax.experimental import pallas as pl
from jax.experimental.pallas import tpu as pltpu
from jax.experimental.pallas import tpu_sc as plsc

VOCAB = 1000
T = 50
EMB = 32
BATCH = 1024
NC = 2
NS = 16
SL = 64
SLOTS = BATCH * T // SL
ROUNDS = SLOTS // NS
CW = 512
COFF = VOCAB - CW
CHUNK = 63
CHUNK_LAST = VOCAB - CHUNK * (NS - 1)


def _precompute_body(tok_ref, pos_ref, w_ref, b_ref, tokl_ref, posl_ref):
    w = w_ref[...]
    tokl_ref[...] = (
        jnp.dot(tok_ref[...], w, preferred_element_type=jnp.float32) + b_ref[...]
    )
    posl_ref[...] = jnp.dot(pos_ref[...], w, preferred_element_type=jnp.float32)


def _precompute_tables(tok_table, pos_table, W, b):
    return pl.pallas_call(
        _precompute_body,
        out_shape=(
            jax.ShapeDtypeStruct((VOCAB, VOCAB), jnp.float32),
            jax.ShapeDtypeStruct((T, VOCAB), jnp.float32),
        ),
    )(tok_table, pos_table, W, b.reshape(1, VOCAB))


def _sc_gather_kernel(xt_hbm, tokl_hbm, posl_hbm, out_hbm,
                      idx_all, pos_v, rows_v0, rows_v1, tok_slab, gsem, wsem):
    cid = lax.axis_index("c")
    sid = lax.axis_index("s")
    c0 = cid * COFF
    pltpu.sync_copy(xt_hbm.at[sid], idx_all)
    pltpu.sync_copy(posl_hbm.at[:, pl.ds(c0, CW)], pos_v)

    @pl.when(sid < NS - 1)
    def _load_chunk():
        pltpu.sync_copy(tokl_hbm.at[pl.ds(sid * CHUNK, CHUNK), pl.ds(c0, CW)],
                        tok_slab.at[pl.ds(sid * CHUNK, CHUNK)])

    @pl.when(sid == NS - 1)
    def _load_last():
        pltpu.sync_copy(
            tokl_hbm.at[pl.ds((NS - 1) * CHUNK, CHUNK_LAST), pl.ds(c0, CW)],
            tok_slab.at[pl.ds((NS - 1) * CHUNK, CHUNK_LAST)])

    plsc.subcore_barrier()

    rows = (rows_v0, rows_v1)
    pltpu.async_copy(tok_slab.at[idx_all.at[0]], rows_v0, gsem)

    def phase(r, buf_cur, buf_nxt):
        g = r * NS + sid
        pltpu.make_async_copy(tokl_hbm.at[pl.ds(0, SL), pl.ds(c0, CW)],
                              buf_cur, gsem).wait()

        @pl.when(r >= 1)
        def _drain_write():
            pltpu.make_async_copy(
                buf_nxt, out_hbm.at[pl.ds(g * SL, SL), pl.ds(c0, CW)],
                wsem).wait()

        @pl.when(r + 1 < ROUNDS)
        def _next_gather():
            pltpu.async_copy(tok_slab.at[idx_all.at[r + 1]], buf_nxt, gsem)

        row0 = g * SL

        def add_row(i, c):
            buf_cur[i, :] = buf_cur[i, :] + pos_v[lax.rem(row0 + i, T), :]
            return c

        lax.fori_loop(0, SL, add_row, 0)
        pltpu.async_copy(buf_cur,
                         out_hbm.at[pl.ds(g * SL, SL), pl.ds(c0, CW)], wsem)

    def round_body(k, carry):
        phase(2 * k, rows[0], rows[1])
        phase(2 * k + 1, rows[1], rows[0])
        return carry

    lax.fori_loop(0, ROUNDS // 2, round_body, 0)
    pltpu.make_async_copy(rows[1],
                          out_hbm.at[pl.ds(0, SL), pl.ds(0, CW)], wsem).wait()


_sc_gather = functools.partial(
    pl.kernel,
    mesh=plsc.VectorSubcoreMesh(core_axis_name="c", subcore_axis_name="s"),
    out_type=jax.ShapeDtypeStruct((BATCH * T, VOCAB), jnp.float32),
    scratch_types=[
        pltpu.VMEM((ROUNDS, SL), jnp.int32),
        pltpu.VMEM((T, CW), jnp.float32),
        pltpu.VMEM((SL, CW), jnp.float32),
        pltpu.VMEM((SL, CW), jnp.float32),
        pltpu.VMEM_SHARED((VOCAB, CW), jnp.float32),
        pltpu.SemaphoreType.DMA,
        pltpu.SemaphoreType.DMA,
    ],
    compiler_params=pltpu.CompilerParams(use_tc_tiling_on_sc=False),
)(_sc_gather_kernel)


@jax.jit
def kernel(x, tok_table, pos_table, W, b):
    tok_logits, pos_logits = _precompute_tables(tok_table, pos_table, W, b)
    xt = x.reshape(ROUNDS, NS, SL).transpose(1, 0, 2)
    out = _sc_gather(xt, tok_logits, pos_logits)
    return out.reshape(BATCH, T, VOCAB)

# --- scband reference (transcript-rebuilt; emitter-appended) ---
"""Pipeline reference for scband-bi-gram-model-v2-89739046683002 (READ-ONLY COPY).

The authoritative reference and input builder live on the scoring server;
editing this copy changes nothing except your own understanding.
"""

import jax, jax.numpy as jnp
import numpy as np

VOCAB_SIZE = 1000
BLOCK_SIZE = 50
EMB_DIM = 32
BATCH = 1024


def setup_inputs(seed: int = 0) -> dict:
    key = jax.random.key(seed)
    k1, k2, k3, k4 = jax.random.split(key, 4)
    x = jax.random.randint(k1, (BATCH, BLOCK_SIZE), 0, VOCAB_SIZE, dtype=jnp.int32)
    tok_table = jax.random.normal(k2, (VOCAB_SIZE, EMB_DIM), dtype=jnp.float32) * 0.02
    pos_table = jax.random.normal(k3, (BLOCK_SIZE, EMB_DIM), dtype=jnp.float32) * 0.02
    W = jax.random.normal(k4, (EMB_DIM, VOCAB_SIZE), dtype=jnp.float32) * (1.0 / np.sqrt(EMB_DIM))
    b = jnp.zeros((VOCAB_SIZE,), dtype=jnp.float32)
    return {"x": x, "tok_table": tok_table, "pos_table": pos_table, "W": W, "b": b}


def reference(x, tok_table, pos_table, W, b):
    # token embedding lookup (gather)
    token_emb = jnp.take(tok_table, x, axis=0)          # [B, T, 32]
    # positional embedding lookup
    T = x.shape[1]
    pos_emb = jnp.take(pos_table, jnp.arange(T), axis=0)  # [T, 32]
    h = token_emb + pos_emb[None, :, :]                  # [B, T, 32]
    # lm_head linear projection
    logits = jnp.einsum("btc,cv->btv", h, W) + b         # [B, T, vocab]
    # y=None path of the torch module returns (logits, None); we return logits
    return logits

if __name__ == "__main__":
    import jax
    _d = setup_inputs()
    print(jax.jit(kernel)(*tuple(_d.values())))

</pallas_src>

<mosaic_0001>
#map = affine_map<(d0, d1) -> (0, 0, 0)>
#map1 = affine_map<(d0, d1) -> (0, 0)>
module attributes {stable_mosaic.version = 14 : i64} {
  func.func @_sc_gather_kernel(%arg0: i32, %arg1: i32, %arg2: memref<16x50x64xi32, #tpu.memory_space<hbm>>, %arg3: memref<1000x1000xf32, #tpu.memory_space<hbm>>, %arg4: memref<50x1000xf32, #tpu.memory_space<hbm>>, %arg5: memref<51200x1000xf32, #tpu.memory_space<hbm>>, %arg6: memref<50x64xi32, #tpu.memory_space<vmem>>, %arg7: memref<50x512xf32, #tpu.memory_space<vmem>>, %arg8: memref<64x512xf32, #tpu.memory_space<vmem>>, %arg9: memref<64x512xf32, #tpu.memory_space<vmem>>, %arg10: memref<1000x512xf32, #tpu.memory_space<vmem_shared>>, %arg11: memref<!tpu.dma_semaphore, #tpu.memory_space<semaphore_mem>>, %arg12: memref<!tpu.dma_semaphore, #tpu.memory_space<semaphore_mem>>) attributes {dimension_semantics = [#tpu.dimension_semantics<core_parallel>, #tpu.dimension_semantics<subcore_parallel>], iteration_bounds = array<i64: 2, 16>, scalar_prefetch = 0 : i64, scratch_operands = 7 : i64, tpu.core_type = #tpu.core_type<sc_vector_subcore>, window_params = [{transform_indices = #map}, {transform_indices = #map1}, {transform_indices = #map1}, {transform_indices = #map1}]} {
    %mul3A = arith.constant 488 : i32
    %mul3A_0 = arith.muli %arg0, %mul3A : i32
    "tpu.region"() ({
      %run_scoped3A = tpu.sem_alloc : memref<!tpu.dma_semaphore, #tpu.memory_space<semaphore_mem>>
      %dma_start3A_23 = arith.constant 0 : i32
      %dma_start3A_24 = arith.constant 0 : i32
      %dma_start3A_25 = tpu.memref_slice %arg2[%arg1, %dma_start3A_23, %dma_start3A_24] : memref<16x50x64xi32, #tpu.memory_space<hbm>> -> memref<1x50x64xi32, #tpu.memory_space<hbm>>
      %dma_start3A_26 = tpu.memref_squeeze %dma_start3A_25 : memref<1x50x64xi32, #tpu.memory_space<hbm>> -> memref<50x64xi32, #tpu.memory_space<hbm>>
      %dma_start3A_27 = arith.constant 0 : i32
      %dma_start3A_28 = arith.constant 0 : i32
      %dma_start3A_29 = tpu.memref_slice %arg2[%arg1, %dma_start3A_27, %dma_start3A_28] : memref<16x50x64xi32, #tpu.memory_space<hbm>> -> memref<1x50x64xi32, #tpu.memory_space<hbm>>
      %dma_start3A_30 = tpu.memref_squeeze %dma_start3A_29 : memref<1x50x64xi32, #tpu.memory_space<hbm>> -> memref<50x64xi32, #tpu.memory_space<hbm>>
      tpu.enqueue_dma source(%dma_start3A_30 : memref<50x64xi32, #tpu.memory_space<hbm>>) target(%arg6 : memref<50x64xi32, #tpu.memory_space<vmem>>) target_semaphore(%run_scoped3A : memref<!tpu.dma_semaphore, #tpu.memory_space<semaphore_mem>>)
      %dma_wait3A_31 = arith.constant 0 : i32
      %dma_wait3A_32 = arith.constant 0 : i32
      %dma_wait3A_33 = tpu.memref_slice %arg2[%arg1, %dma_wait3A_31, %dma_wait3A_32] : memref<16x50x64xi32, #tpu.memory_space<hbm>> -> memref<1x50x64xi32, #tpu.memory_space<hbm>>
      %dma_wait3A_34 = tpu.memref_squeeze %dma_wait3A_33 : memref<1x50x64xi32, #tpu.memory_space<hbm>> -> memref<50x64xi32, #tpu.memory_space<hbm>>
      %dma_wait3A_35 = arith.constant 0 : i32
      %dma_wait3A_36 = arith.constant 0 : i32
      %dma_wait3A_37 = tpu.memref_slice %arg2[%arg1, %dma_wait3A_35, %dma_wait3A_36] : memref<16x50x64xi32, #tpu.memory_space<hbm>> -> memref<1x50x64xi32, #tpu.memory_space<hbm>>
      %dma_wait3A_38 = tpu.memref_squeeze %dma_wait3A_37 : memref<1x50x64xi32, #tpu.memory_space<hbm>> -> memref<50x64xi32, #tpu.memory_space<hbm>>
      tpu.wait_dma2 semaphore(%run_scoped3A : memref<!tpu.dma_semaphore, #tpu.memory_space<semaphore_mem>>) src(%dma_wait3A_38 : memref<50x64xi32, #tpu.memory_space<hbm>>) dst(%arg6 : memref<50x64xi32, #tpu.memory_space<vmem>>)
      tpu.yield
    }) : () -> ()
    "tpu.region"() ({
      %run_scoped3A = tpu.sem_alloc : memref<!tpu.dma_semaphore, #tpu.memory_space<semaphore_mem>>
      %dma_start3A_23 = arith.constant 0 : i32
      %dma_start3A_24 = tpu.memref_slice %arg4[%dma_start3A_23, %mul3A_0] : memref<50x1000xf32, #tpu.memory_space<hbm>> -> memref<50x512xf32, #tpu.memory_space<hbm>>
      %dma_start3A_25 = arith.constant 0 : i32
      %dma_start3A_26 = tpu.memref_slice %arg4[%dma_start3A_25, %mul3A_0] : memref<50x1000xf32, #tpu.memory_space<hbm>> -> memref<50x512xf32, #tpu.memory_space<hbm>>
      tpu.enqueue_dma source(%dma_start3A_26 : memref<50x512xf32, #tpu.memory_space<hbm>>) target(%arg7 : memref<50x512xf32, #tpu.memory_space<vmem>>) target_semaphore(%run_scoped3A : memref<!tpu.dma_semaphore, #tpu.memory_space<semaphore_mem>>)
      %dma_wait3A_27 = arith.constant 0 : i32
      %dma_wait3A_28 = tpu.memref_slice %arg4[%dma_wait3A_27, %mul3A_0] : memref<50x1000xf32, #tpu.memory_space<hbm>> -> memref<50x512xf32, #tpu.memory_space<hbm>>
      %dma_wait3A_29 = arith.constant 0 : i32
      %dma_wait3A_30 = tpu.memref_slice %arg4[%dma_wait3A_29, %mul3A_0] : memref<50x1000xf32, #tpu.memory_space<hbm>> -> memref<50x512xf32, #tpu.memory_space<hbm>>
      tpu.wait_dma2 semaphore(%run_scoped3A : memref<!tpu.dma_semaphore, #tpu.memory_space<semaphore_mem>>) src(%dma_wait3A_30 : memref<50x512xf32, #tpu.memory_space<hbm>>) dst(%arg7 : memref<50x512xf32, #tpu.memory_space<vmem>>)
      tpu.yield
    }) : () -> ()
    %lt3A = arith.constant 15 : i32
    %lt3A_1 = arith.cmpi slt, %arg1, %lt3A : i32
    %convert_element_type3A = arith.extui %lt3A_1 : i1 to i32
    %cond3A = arith.constant 0 : i32
    %cond3A_2 = arith.cmpi ne, %convert_element_type3A, %cond3A : i32
    scf.if %cond3A_2 {
      %mul3A_23 = arith.constant 63 : i32
      %mul3A_24 = arith.muli %arg1, %mul3A_23 : i32
      %mul3A_25 = arith.constant 63 : i32
      %mul3A_26 = arith.muli %arg1, %mul3A_25 : i32
      "tpu.region"() ({
        %run_scoped3A = tpu.sem_alloc : memref<!tpu.dma_semaphore, #tpu.memory_space<semaphore_mem>>
        %dma_start3A_27 = arith.constant 0 : i32
        %dma_start3A_28 = tpu.memref_slice %arg10[%mul3A_26, %dma_start3A_27] : memref<1000x512xf32, #tpu.memory_space<vmem_shared>> -> memref<63x512xf32, #tpu.memory_space<vmem_shared>>
        %dma_start3A_29 = tpu.memref_slice %arg3[%mul3A_24, %mul3A_0] : memref<1000x1000xf32, #tpu.memory_space<hbm>> -> memref<63x512xf32, #tpu.memory_space<hbm>>
        tpu.enqueue_dma source(%dma_start3A_29 : memref<63x512xf32, #tpu.memory_space<hbm>>) target(%dma_start3A_28 : memref<63x512xf32, #tpu.memory_space<vmem_shared>>) target_semaphore(%run_scoped3A : memref<!tpu.dma_semaphore, #tpu.memory_space<semaphore_mem>>)
        %dma_wait3A_30 = arith.constant 0 : i32
        %dma_wait3A_31 = tpu.memref_slice %arg10[%mul3A_26, %dma_wait3A_30] : memref<1000x512xf32, #tpu.memory_space<vmem_shared>> -> memref<63x512xf32, #tpu.memory_space<vmem_shared>>
        %dma_wait3A_32 = tpu.memref_slice %arg3[%mul3A_24, %mul3A_0] : memref<1000x1000xf32, #tpu.memory_space<hbm>> -> memref<63x512xf32, #tpu.memory_space<hbm>>
        tpu.wait_dma2 semaphore(%run_scoped3A : memref<!tpu.dma_semaphore, #tpu.memory_space<semaphore_mem>>) src(%dma_wait3A_32 : memref<63x512xf32, #tpu.memory_space<hbm>>) dst(%dma_wait3A_31 : memref<63x512xf32, #tpu.memory_space<vmem_shared>>)
        tpu.yield
      }) : () -> ()
    } else {
    }
    %eq3A = arith.constant 15 : i32
    %eq3A_3 = arith.cmpi eq, %arg1, %eq3A : i32
    %convert_element_type3A_4 = arith.extui %eq3A_3 : i1 to i32
    %cond3A_5 = arith.constant 0 : i32
    %cond3A_6 = arith.cmpi ne, %convert_element_type3A_4, %cond3A_5 : i32
    scf.if %cond3A_6 {
      "tpu.region"() ({
        %run_scoped3A = tpu.sem_alloc : memref<!tpu.dma_semaphore, #tpu.memory_space<semaphore_mem>>
        %dma_start3A_23 = arith.constant 945 : i32
        %dma_start3A_24 = arith.constant 0 : i32
        %dma_start3A_25 = tpu.memref_slice %arg10[%dma_start3A_23, %dma_start3A_24] : memref<1000x512xf32, #tpu.memory_space<vmem_shared>> -> memref<55x512xf32, #tpu.memory_space<vmem_shared>>
        %dma_start3A_26 = arith.constant 945 : i32
        %dma_start3A_27 = tpu.memref_slice %arg3[%dma_start3A_26, %mul3A_0] : memref<1000x1000xf32, #tpu.memory_space<hbm>> -> memref<55x512xf32, #tpu.memory_space<hbm>>
        tpu.enqueue_dma source(%dma_start3A_27 : memref<55x512xf32, #tpu.memory_space<hbm>>) target(%dma_start3A_25 : memref<55x512xf32, #tpu.memory_space<vmem_shared>>) target_semaphore(%run_scoped3A : memref<!tpu.dma_semaphore, #tpu.memory_space<semaphore_mem>>)
        %dma_wait3A_28 = arith.constant 945 : i32
        %dma_wait3A_29 = arith.constant 0 : i32
        %dma_wait3A_30 = tpu.memref_slice %arg10[%dma_wait3A_28, %dma_wait3A_29] : memref<1000x512xf32, #tpu.memory_space<vmem_shared>> -> memref<55x512xf32, #tpu.memory_space<vmem_shared>>
        %dma_wait3A_31 = arith.constant 945 : i32
        %dma_wait3A_32 = tpu.memref_slice %arg3[%dma_wait3A_31, %mul3A_0] : memref<1000x1000xf32, #tpu.memory_space<hbm>> -> memref<55x512xf32, #tpu.memory_space<hbm>>
        tpu.wait_dma2 semaphore(%run_scoped3A : memref<!tpu.dma_semaphore, #tpu.memory_space<semaphore_mem>>) src(%dma_wait3A_32 : memref<55x512xf32, #tpu.memory_space<hbm>>) dst(%dma_wait3A_30 : memref<55x512xf32, #tpu.memory_space<vmem_shared>>)
        tpu.yield
      }) : () -> ()
    } else {
    }
    %barrier3A = arith.constant 0 : index
    tpu.barrier barrier_id(%barrier3A)
    %dma_start3A = arith.constant 0 : i32
    %dma_start3A_7 = arith.constant 0 : i32
    %dma_start3A_8 = tpu.memref_slice %arg6[%dma_start3A, %dma_start3A_7] : memref<50x64xi32, #tpu.memory_space<vmem>> -> memref<1x64xi32, #tpu.memory_space<vmem>>
    %dma_start3A_9 = tpu.memref_squeeze %dma_start3A_8 : memref<1x64xi32, #tpu.memory_space<vmem>> -> memref<64xi32, #tpu.memory_space<vmem>>
    %dma_start3A_10 = arith.constant 0 : i32
    %dma_start3A_11 = arith.constant 0 : i32
    %dma_start3A_12 = tpu.memref_slice %arg10[%dma_start3A_10, %dma_start3A_11] : memref<1000x512xf32, #tpu.memory_space<vmem_shared>> -> memref<1000x512xf32, #tpu.memory_space<vmem_shared>>
    tpu.enqueue_indirect_dma source(%dma_start3A_12 : memref<1000x512xf32, #tpu.memory_space<vmem_shared>>) target(%arg8 : memref<64x512xf32, #tpu.memory_space<vmem>>) offsets(%dma_start3A_9 : memref<64xi32, #tpu.memory_space<vmem>>) semaphore(%arg11 : memref<!tpu.dma_semaphore, #tpu.memory_space<semaphore_mem>>)
    %scan3A = arith.constant 0 : i32
    %scan3A_13 = arith.constant 0 : i32
    %scan3A_14 = arith.constant 25 : i32
    %scan3A_15 = arith.addi %scan3A_13, %scan3A_14 : i32
    %scan3A_16 = arith.constant 1 : i32
    scf.for %scan3A_23 = %scan3A_13 to %scan3A_15 step %scan3A_16  : i32 {
      %mul3A_24 = arith.constant 2 : i32
      %mul3A_25 = arith.muli %mul3A_24, %scan3A_23 : i32
      %mul3A_26 = arith.constant 16 : i32
      %mul3A_27 = arith.muli %mul3A_25, %mul3A_26 : i32
      %add3A = arith.addi %mul3A_27, %arg1 : i32
      %dma_wait3A_28 = arith.constant 0 : i32
      %dma_wait3A_29 = tpu.memref_slice %arg3[%dma_wait3A_28, %mul3A_0] : memref<1000x1000xf32, #tpu.memory_space<hbm>> -> memref<64x512xf32, #tpu.memory_space<hbm>>
      %dma_wait3A_30 = arith.constant 0 : i32
      %dma_wait3A_31 = tpu.memref_slice %arg3[%dma_wait3A_30, %mul3A_0] : memref<1000x1000xf32, #tpu.memory_space<hbm>> -> memref<64x512xf32, #tpu.memory_space<hbm>>
      tpu.wait_dma2 semaphore(%arg11 : memref<!tpu.dma_semaphore, #tpu.memory_space<semaphore_mem>>) src(%dma_wait3A_31 : memref<64x512xf32, #tpu.memory_space<hbm>>) dst(%arg8 : memref<64x512xf32, #tpu.memory_space<vmem>>)
      %ge3A = arith.constant 1 : i32
      %ge3A_32 = arith.cmpi sge, %mul3A_25, %ge3A : i32
      %convert_element_type3A_33 = arith.extui %ge3A_32 : i1 to i32
      %cond3A_34 = arith.constant 0 : i32
      %cond3A_35 = arith.cmpi ne, %convert_element_type3A_33, %cond3A_34 : i32
      scf.if %cond3A_35 {
        %mul3A_90 = arith.constant 64 : i32
        %mul3A_91 = arith.muli %add3A, %mul3A_90 : i32
        %dma_wait3A_92 = tpu.memref_slice %arg5[%mul3A_91, %mul3A_0] : memref<51200x1000xf32, #tpu.memory_space<hbm>> -> memref<64x512xf32, #tpu.memory_space<hbm>>
        %dma_wait3A_93 = tpu.memref_slice %arg5[%mul3A_91, %mul3A_0] : memref<51200x1000xf32, #tpu.memory_space<hbm>> -> memref<64x512xf32, #tpu.memory_space<hbm>>
        tpu.wait_dma2 semaphore(%arg12 : memref<!tpu.dma_semaphore, #tpu.memory_space<semaphore_mem>>) src(%arg9 : memref<64x512xf32, #tpu.memory_space<vmem>>) dst(%dma_wait3A_93 : memref<64x512xf32, #tpu.memory_space<hbm>>)
      } else {
      }
      %add3A_36 = arith.constant 1 : i32
      %add3A_37 = arith.addi %mul3A_25, %add3A_36 : i32
      %lt3A_38 = arith.constant 50 : i32
      %lt3A_39 = arith.cmpi slt, %add3A_37, %lt3A_38 : i32
      %convert_element_type3A_40 = arith.extui %lt3A_39 : i1 to i32
      %cond3A_41 = arith.constant 0 : i32
      %cond3A_42 = arith.cmpi ne, %convert_element_type3A_40, %cond3A_41 : i32
      scf.if %cond3A_42 {
        %add3A_90 = arith.constant 1 : i32
        %add3A_91 = arith.addi %mul3A_25, %add3A_90 : i32
        %dma_start3A_92 = arith.constant 0 : i32
        %dma_start3A_93 = tpu.memref_slice %arg6[%add3A_91, %dma_start3A_92] : memref<50x64xi32, #tpu.memory_space<vmem>> -> memref<1x64xi32, #tpu.memory_space<vmem>>
        %dma_start3A_94 = tpu.memref_squeeze %dma_start3A_93 : memref<1x64xi32, #tpu.memory_space<vmem>> -> memref<64xi32, #tpu.memory_space<vmem>>
        %dma_start3A_95 = arith.constant 0 : i32
        %dma_start3A_96 = arith.constant 0 : i32
        %dma_start3A_97 = tpu.memref_slice %arg10[%dma_start3A_95, %dma_start3A_96] : memref<1000x512xf32, #tpu.memory_space<vmem_shared>> -> memref<1000x512xf32, #tpu.memory_space<vmem_shared>>
        tpu.enqueue_indirect_dma source(%dma_start3A_97 : memref<1000x512xf32, #tpu.memory_space<vmem_shared>>) target(%arg9 : memref<64x512xf32, #tpu.memory_space<vmem>>) offsets(%dma_start3A_94 : memref<64xi32, #tpu.memory_space<vmem>>) semaphore(%arg11 : memref<!tpu.dma_semaphore, #tpu.memory_space<semaphore_mem>>)
      } else {
      }
      %mul3A_43 = arith.constant 64 : i32
      %mul3A_44 = arith.muli %add3A, %mul3A_43 : i32
      %scan3A_45 = arith.constant 0 : i32
      %scan3A_46 = arith.constant 0 : i32
      %scan3A_47 = arith.constant 64 : i32
      %scan3A_48 = arith.addi %scan3A_46, %scan3A_47 : i32
      %scan3A_49 = arith.constant 1 : i32
      scf.for %scan3A_90 = %scan3A_46 to %scan3A_48 step %scan3A_49  : i32 {
        %get3A = arith.index_cast %scan3A_90 : i32 to index
        %get3A_91 = arith.constant 0 : index
        %get3A_92 = tpu.vector_load %arg8[%get3A, %get3A_91] {strides = array<i32>} : memref<64x512xf32, #tpu.memory_space<vmem>>, vector<1x512xf32>,
        %get3A_93 = vector.shape_cast %get3A_92 : vector<1x512xf32> to vector<512xf32>
        %add3A_94 = arith.addi %mul3A_44, %scan3A_90 : i32
        %rem3A = arith.constant 50 : i32
        %rem3A_95 = arith.remsi %add3A_94, %rem3A : i32
        %get3A_96 = arith.index_cast %rem3A_95 : i32 to index
        %get3A_97 = arith.constant 0 : index
        %get3A_98 = tpu.vector_load %arg7[%get3A_96, %get3A_97] {strides = array<i32>} : memref<50x512xf32, #tpu.memory_space<vmem>>, vector<1x512xf32>,
        %get3A_99 = vector.shape_cast %get3A_98 : vector<1x512xf32> to vector<512xf32>
        %add3A_100 = arith.addf %get3A_93, %get3A_99 : vector<512xf32>
        %swap3A = arith.index_cast %scan3A_90 : i32 to index
        %swap3A_101 = arith.constant 0 : index
        %swap3A_102 = tpu.vector_load %arg8[%swap3A, %swap3A_101] {strides = array<i32>} : memref<64x512xf32, #tpu.memory_space<vmem>>, vector<1x512xf32>,
        %swap3A_103 = vector.shape_cast %swap3A_102 : vector<1x512xf32> to vector<512xf32>
        %swap3A_104 = vector.shape_cast %add3A_100 : vector<512xf32> to vector<1x512xf32>
        tpu.vector_store %arg8[%swap3A, %swap3A_101], %swap3A_104 {strides = array<i32>} : memref<64x512xf32, #tpu.memory_space<vmem>>, vector<1x512xf32>,
      }
      %scan3A_50 = arith.constant 64 : i32
      %mul3A_51 = arith.constant 64 : i32
      %mul3A_52 = arith.muli %add3A, %mul3A_51 : i32
      %dma_start3A_53 = tpu.memref_slice %arg5[%mul3A_52, %mul3A_0] : memref<51200x1000xf32, #tpu.memory_space<hbm>> -> memref<64x512xf32, #tpu.memory_space<hbm>>
      %dma_start3A_54 = tpu.memref_slice %arg5[%mul3A_52, %mul3A_0] : memref<51200x1000xf32, #tpu.memory_space<hbm>> -> memref<64x512xf32, #tpu.memory_space<hbm>>
      tpu.enqueue_dma source(%arg8 : memref<64x512xf32, #tpu.memory_space<vmem>>) target(%dma_start3A_54 : memref<64x512xf32, #tpu.memory_space<hbm>>) target_semaphore(%arg12 : memref<!tpu.dma_semaphore, #tpu.memory_space<semaphore_mem>>)
      %mul3A_55 = arith.constant 2 : i32
      %mul3A_56 = arith.muli %mul3A_55, %scan3A_23 : i32
      %add3A_57 = arith.constant 1 : i32
      %add3A_58 = arith.addi %mul3A_56, %add3A_57 : i32
      %mul3A_59 = arith.constant 16 : i32
      %mul3A_60 = arith.muli %add3A_58, %mul3A_59 : i32
      %add3A_61 = arith.addi %mul3A_60, %arg1 : i32
      %dma_wait3A_62 = arith.constant 0 : i32
      %dma_wait3A_63 = tpu.memref_slice %arg3[%dma_wait3A_62, %mul3A_0] : memref<1000x1000xf32, #tpu.memory_space<hbm>> -> memref<64x512xf32, #tpu.memory_space<hbm>>
      %dma_wait3A_64 = arith.constant 0 : i32
      %dma_wait3A_65 = tpu.memref_slice %arg3[%dma_wait3A_64, %mul3A_0] : memref<1000x1000xf32, #tpu.memory_space<hbm>> -> memref<64x512xf32, #tpu.memory_space<hbm>>
      tpu.wait_dma2 semaphore(%arg11 : memref<!tpu.dma_semaphore, #tpu.memory_space<semaphore_mem>>) src(%dma_wait3A_65 : memref<64x512xf32, #tpu.memory_space<hbm>>) dst(%arg9 : memref<64x512xf32, #tpu.memory_space<vmem>>)
      %ge3A_66 = arith.constant 1 : i32
      %ge3A_67 = arith.cmpi sge, %add3A_58, %ge3A_66 : i32
      %convert_element_type3A_68 = arith.extui %ge3A_67 : i1 to i32
      %cond3A_69 = arith.constant 0 : i32
      %cond3A_70 = arith.cmpi ne, %convert_element_type3A_68, %cond3A_69 : i32
      scf.if %cond3A_70 {
        %mul3A_90 = arith.constant 64 : i32
        %mul3A_91 = arith.muli %add3A_61, %mul3A_90 : i32
        %dma_wait3A_92 = tpu.memref_slice %arg5[%mul3A_91, %mul3A_0] : memref<51200x1000xf32, #tpu.memory_space<hbm>> -> memref<64x512xf32, #tpu.memory_space<hbm>>
        %dma_wait3A_93 = tpu.memref_slice %arg5[%mul3A_91, %mul3A_0] : memref<51200x1000xf32, #tpu.memory_space<hbm>> -> memref<64x512xf32, #tpu.memory_space<hbm>>
        tpu.wait_dma2 semaphore(%arg12 : memref<!tpu.dma_semaphore, #tpu.memory_space<semaphore_mem>>) src(%arg8 : memref<64x512xf32, #tpu.memory_space<vmem>>) dst(%dma_wait3A_93 : memref<64x512xf32, #tpu.memory_space<hbm>>)
      } else {
      }
      %add3A_71 = arith.constant 1 : i32
      %add3A_72 = arith.addi %add3A_58, %add3A_71 : i32
      %lt3A_73 = arith.constant 50 : i32
      %lt3A_74 = arith.cmpi slt, %add3A_72, %lt3A_73 : i32
      %convert_element_type3A_75 = arith.extui %lt3A_74 : i1 to i32
      %cond3A_76 = arith.constant 0 : i32
      %cond3A_77 = arith.cmpi ne, %convert_element_type3A_75, %cond3A_76 : i32
      scf.if %cond3A_77 {
        %add3A_90 = arith.constant 1 : i32
        %add3A_91 = arith.addi %add3A_58, %add3A_90 : i32
        %dma_start3A_92 = arith.constant 0 : i32
        %dma_start3A_93 = tpu.memref_slice %arg6[%add3A_91, %dma_start3A_92] : memref<50x64xi32, #tpu.memory_space<vmem>> -> memref<1x64xi32, #tpu.memory_space<vmem>>
        %dma_start3A_94 = tpu.memref_squeeze %dma_start3A_93 : memref<1x64xi32, #tpu.memory_space<vmem>> -> memref<64xi32, #tpu.memory_space<vmem>>
        %dma_start3A_95 = arith.constant 0 : i32
        %dma_start3A_96 = arith.constant 0 : i32
        %dma_start3A_97 = tpu.memref_slice %arg10[%dma_start3A_95, %dma_start3A_96] : memref<1000x512xf32, #tpu.memory_space<vmem_shared>> -> memref<1000x512xf32, #tpu.memory_space<vmem_shared>>
        tpu.enqueue_indirect_dma source(%dma_start3A_97 : memref<1000x512xf32, #tpu.memory_space<vmem_shared>>) target(%arg8 : memref<64x512xf32, #tpu.memory_space<vmem>>) offsets(%dma_start3A_94 : memref<64xi32, #tpu.memory_space<vmem>>) semaphore(%arg11 : memref<!tpu.dma_semaphore, #tpu.memory_space<semaphore_mem>>)
      } else {
      }
      %mul3A_78 = arith.constant 64 : i32
      %mul3A_79 = arith.muli %add3A_61, %mul3A_78 : i32
      %scan3A_80 = arith.constant 0 : i32
      %scan3A_81 = arith.constant 0 : i32
      %scan3A_82 = arith.constant 64 : i32
      %scan3A_83 = arith.addi %scan3A_81, %scan3A_82 : i32
      %scan3A_84 = arith.constant 1 : i32
      scf.for %scan3A_90 = %scan3A_81 to %scan3A_83 step %scan3A_84  : i32 {
        %get3A = arith.index_cast %scan3A_90 : i32 to index
        %get3A_91 = arith.constant 0 : index
        %get3A_92 = tpu.vector_load %arg9[%get3A, %get3A_91] {strides = array<i32>} : memref<64x512xf32, #tpu.memory_space<vmem>>, vector<1x512xf32>,
        %get3A_93 = vector.shape_cast %get3A_92 : vector<1x512xf32> to vector<512xf32>
        %add3A_94 = arith.addi %mul3A_79, %scan3A_90 : i32
        %rem3A = arith.constant 50 : i32
        %rem3A_95 = arith.remsi %add3A_94, %rem3A : i32
        %get3A_96 = arith.index_cast %rem3A_95 : i32 to index
        %get3A_97 = arith.constant 0 : index
        %get3A_98 = tpu.vector_load %arg7[%get3A_96, %get3A_97] {strides = array<i32>} : memref<50x512xf32, #tpu.memory_space<vmem>>, vector<1x512xf32>,
        %get3A_99 = vector.shape_cast %get3A_98 : vector<1x512xf32> to vector<512xf32>
        %add3A_100 = arith.addf %get3A_93, %get3A_99 : vector<512xf32>
        %swap3A = arith.index_cast %scan3A_90 : i32 to index
        %swap3A_101 = arith.constant 0 : index
        %swap3A_102 = tpu.vector_load %arg9[%swap3A, %swap3A_101] {strides = array<i32>} : memref<64x512xf32, #tpu.memory_space<vmem>>, vector<1x512xf32>,
        %swap3A_103 = vector.shape_cast %swap3A_102 : vector<1x512xf32> to vector<512xf32>
        %swap3A_104 = vector.shape_cast %add3A_100 : vector<512xf32> to vector<1x512xf32>
        tpu.vector_store %arg9[%swap3A, %swap3A_101], %swap3A_104 {strides = array<i32>} : memref<64x512xf32, #tpu.memory_space<vmem>>, vector<1x512xf32>,
      }
      %scan3A_85 = arith.constant 64 : i32
      %mul3A_86 = arith.constant 64 : i32
      %mul3A_87 = arith.muli %add3A_61, %mul3A_86 : i32
      %dma_start3A_88 = tpu.memref_slice %arg5[%mul3A_87, %mul3A_0] : memref<51200x1000xf32, #tpu.memory_space<hbm>> -> memref<64x512xf32, #tpu.memory_space<hbm>>
      %dma_start3A_89 = tpu.memref_slice %arg5[%mul3A_87, %mul3A_0] : memref<51200x1000xf32, #tpu.memory_space<hbm>> -> memref<64x512xf32, #tpu.memory_space<hbm>>
      tpu.enqueue_dma source(%arg9 : memref<64x512xf32, #tpu.memory_space<vmem>>) target(%dma_start3A_89 : memref<64x512xf32, #tpu.memory_space<hbm>>) target_semaphore(%arg12 : memref<!tpu.dma_semaphore, #tpu.memory_space<semaphore_mem>>)
    }
    %scan3A_17 = arith.constant 25 : i32
    %dma_wait3A = arith.constant 0 : i32
    %dma_wait3A_18 = arith.constant 0 : i32
    %dma_wait3A_19 = tpu.memref_slice %arg5[%dma_wait3A, %dma_wait3A_18] : memref<51200x1000xf32, #tpu.memory_space<hbm>> -> memref<64x512xf32, #tpu.memory_space<hbm>>
    %dma_wait3A_20 = arith.constant 0 : i32
    %dma_wait3A_21 = arith.constant 0 : i32
    %dma_wait3A_22 = tpu.memref_slice %arg5[%dma_wait3A_20, %dma_wait3A_21] : memref<51200x1000xf32, #tpu.memory_space<hbm>> -> memref<64x512xf32, #tpu.memory_space<hbm>>
    tpu.wait_dma2 semaphore(%arg12 : memref<!tpu.dma_semaphore, #tpu.memory_space<semaphore_mem>>) src(%arg9 : memref<64x512xf32, #tpu.memory_space<vmem>>) dst(%dma_wait3A_22 : memref<64x512xf32, #tpu.memory_space<hbm>>)
    return
  }
}

module attributes {stable_mosaic.version = 14 : i64} {
  func.func @_precompute_body(%arg0: memref<1000x32xf32, #tpu.memory_space<vmem>>, %arg1: memref<50x32xf32, #tpu.memory_space<vmem>>, %arg2: memref<32x1000xf32, #tpu.memory_space<vmem>>, %arg3: memref<1x1000xf32, #tpu.memory_space<vmem>>, %arg4: memref<1000x1000xf32, #tpu.memory_space<vmem>>, %arg5: memref<50x1000xf32, #tpu.memory_space<vmem>>) attributes {dimension_semantics = [], scalar_prefetch = 0 : i64, scratch_operands = 0 : i64, tpu.core_type = #tpu.core_type<tc>} {
    %get3A = arith.constant 0 : index
    %get3A_0 = arith.constant 0 : index
    %get3A_1 = vector.load %arg2[%get3A, %get3A_0] : memref<32x1000xf32, #tpu.memory_space<vmem>>, vector<32x1000xf32>
    %get3A_2 = arith.constant 0 : index
    %get3A_3 = arith.constant 0 : index
    %get3A_4 = vector.load %arg0[%get3A_2, %get3A_3] : memref<1000x32xf32, #tpu.memory_space<vmem>>, vector<1000x32xf32>
    %dot_general3A = arith.constant dense<0.000000e+00> : vector<1000x1000xf32>
    %dot_general3A_5 = tpu.matmul %get3A_4, %get3A_1, %dot_general3A {dimension_numbers = #tpu.dot_dimension_numbers<[1], [0], [0], [1], [0, 0, 1, 1], [], []>, transpose_lhs_hint = false} : vector<1000x32xf32>, vector<32x1000xf32>, vector<1000x1000xf32> -> vector<1000x1000xf32>
    %get3A_6 = arith.constant 0 : index
    %get3A_7 = arith.constant 0 : index
    %get3A_8 = vector.load %arg3[%get3A_6, %get3A_7] : memref<1x1000xf32, #tpu.memory_space<vmem>>, vector<1x1000xf32>
    %add3A = vector.broadcast %get3A_8 : vector<1x1000xf32> to vector<1000x1000xf32>
    %add3A_9 = arith.addf %dot_general3A_5, %add3A : vector<1000x1000xf32>
    %swap3A = arith.constant 0 : index
    %swap3A_10 = arith.constant 0 : index
    %swap3A_11 = vector.load %arg4[%swap3A, %swap3A_10] : memref<1000x1000xf32, #tpu.memory_space<vmem>>, vector<1000x1000xf32>
    tpu.vector_store %arg4[%swap3A, %swap3A_10], %add3A_9 {strides = array<i32>} : memref<1000x1000xf32, #tpu.memory_space<vmem>>, vector<1000x1000xf32>,
    %get3A_12 = arith.constant 0 : index
    %get3A_13 = arith.constant 0 : index
    %get3A_14 = vector.load %arg1[%get3A_12, %get3A_13] : memref<50x32xf32, #tpu.memory_space<vmem>>, vector<50x32xf32>
    %dot_general3A_15 = arith.constant dense<0.000000e+00> : vector<50x1000xf32>
    %dot_general3A_16 = tpu.matmul %get3A_14, %get3A_1, %dot_general3A_15 {dimension_numbers = #tpu.dot_dimension_numbers<[1], [0], [0], [1], [0, 0, 1, 1], [], []>, transpose_lhs_hint = false} : vector<50x32xf32>, vector<32x1000xf32>, vector<50x1000xf32> -> vector<50x1000xf32>
    %swap3A_17 = arith.constant 0 : index
    %swap3A_18 = arith.constant 0 : index
    %swap3A_19 = vector.load %arg5[%swap3A_17, %swap3A_18] : memref<50x1000xf32, #tpu.memory_space<vmem>>, vector<50x1000xf32>
    tpu.vector_store %arg5[%swap3A_17, %swap3A_18], %dot_general3A_16 {strides = array<i32>} : memref<50x1000xf32, #tpu.memory_space<vmem>>, vector<50x1000xf32>,
    return
  }
}

</mosaic_0001>

<sc_bundles>
// kernel: kernel.4.cloned.1.call-start
scs
__scs_entry_jumppad:
0x0: {  	(pc) =	sbr.rel $0x88, $3  }
0x1: {  	(tag) =	ssettag $0x0;
	lr =	simm.s32 $0x1  }
0x2: {  	[smem:$0x3F9C] =	sst lr;
	_ =	strace $0xD0000000  }
0x3: {  	_ = 	snop  }
0x4: {  	_ = 	snop  }
0x5: {  	_ = 	snop  }
0x6: {  	_ = 	snop  }
0x7: {  	_ = 	snop  }
__scs_overlays_trampoline_lowered:
0x8: {  	[smem:$0x3FAB] =	sst s0  }
0x9: {  	[smem:$0x3FAC] =	sst s1  }
0xa: {  	[smem:$0x3FAD] =	sst s2  }
0xb: {  	[smem:$0x3FAE] =	sst s3  }
0xc: {  	[smem:$0x3FAF] =	sst s4  }
0xd: {  	[smem:$0x3FB0] =	sst s5  }
0xe: {  	[smem:$0x3FB1] =	sst s6  }
0xf: {  	[smem:$0x3FB2] =	sst s7  }
0x10: {  	[smem:$0x3FB3] =	sst s8  }
0x11: {  	[smem:$0x3FB4] =	sst s9;
	s0 =	simm.s32 @!p0 $0x0  }
0x12: {  	s1 =	sld [smem:$0x3F9A];
	s0 =	simm.s32 @p0 $0x1  }
0x13: {  	[smem:$0x3FB5] =	sst s0;
	s0 =	simm.s32 @!p1 $0x0  }
0x14: {  	s2 =	sld [smem:$0x3F99];
	s0 =	simm.s32 @p1 $0x1  }
0x15: {  	[smem:$0x3FB6] =	sst s0;
	s0 =	simm.s32 @!p2 $0x0  }
0x16: {  	s3 =	sld [smem:$0x3FDB];
	s0 =	simm.s32 @p2 $0x1  }
0x17: {  	s4 =	simm.s32 $0x1BF5;
	[smem:$0x3FB8] =	sst s0  }
0x18: {  	s0 =	sld [smem:$0x3F9B];
	_ =	swait.ge [sflag:s4], $0x0  }
0x19: {  	s7 =	sld [smem:$0x3F9C]  }
0x1a: {  	s8 =	sadd.s32 $0xFFFFE003, lr  }
0x1b: {  	s9 =	sadd.s32 $0xFFFFFEF7, lr;
	s5 =	simm.s32 $0xFFFFFFFF;
	p2 =	slt.u32 s8, $0xFFFFF086  }
0x1c: {  	p1 =	slt.u32 s9, $0xF7A;
	s5 =	simm.s32 @!p2 $0x0  }
0x1d: {  	s5 =	simm.s32 @p1 $0x1;
	p0 =	seq.s32 s7, s2  }
0x1e: {  	s7 =	smul.u32 @!p0 $0xF7A, s2;
	p2 =	seq.s32 @!p0 s5, $0x0  }
0x1f: {  	s9 =	smul.u32 $0xF7A, s1;
	s8 =	simm.s32 @!p0 $0x1BF5;
	p2 =	por !p2, p0  }
0x20: {  	[sflag:s8] =	ssyncset.s32 @!p0 $0xFFFFF086;
	s6 =	sadd.s32 @!p0 s3, s7;
	s7 =	simm.s32 @!p0 $0x108  }
0x21: {  	s3 =	sadd.s32 s3, s9;
	s6 =	sadd.s32 @!p0 $0x88, s6;
	s7 =	simm.s32 @p2 $0x1082  }
0x22: {  	[simem:s7], [sflag:s8] =	dma.local @!p0 [hbm:s6], $0xF7A  }
0x23: {  	s9 =	sor.u32 $0xD0000000, s2;
	s6 =	simm.s32 $0x108;
	_ =	swait.ge @!p0 [sflag:s8], $0x0  }
0x24: {  	s3 =	sadd.s32 $0x88, s3;
	s6 =	simm.s32 @!p1 $0x1082;
	[sflag:s4] =	ssyncset.s32 $0xFFFFF086  }
0x25: {  	[simem:s6], [sflag:s4] =	dma.local [hbm:s3], $0xF7A  }
0x26: {  	[smem:$0x3F9C] =	sst s1;
	(tag) =	ssettag s2;
	_ =	strace s9  }
0x27: {  	s1 =	sld [smem:$0x3FAC]  }
0x28: {  	s2 =	sld [smem:$0x3FAD]  }
0x29: {  	s4 =	sld [smem:$0x3FAF]  }
0x2a: {  	p0 =	seq.s32 s5, $0x0;
	s5 =	sld [smem:$0x3FB0]  }
0x2b: {  	s6 =	sld [smem:$0x3FB1]  }
0x2c: {  	s7 =	sld [smem:$0x3FB2]  }
0x2d: {  	s3 =	simm.s32 $0x108;
	s8 =	sld [smem:$0x3FB3]  }
0x2e: {  	s3 =	simm.s32 @!p0 $0x1082;
	s9 =	sld [smem:$0x3FB4]  }
0x2f: {  	lr =	sadd.s32 s0, s3;
	s0 =	sld [smem:$0x3FAB]  }
0x30: {  	s3 =	sld [smem:$0x3FAE]  }
0x31: {  	[smem:$0x3FB7] =	sst s10  }
0x32: {  	s10 =	sld [smem:$0x3FB5];
	_ =	sdelay $0x3  }
0x33: {  	p0 =	seq.s32 s10, $0x1;
	s10 =	sld [smem:$0x3FB7];
	_ =	sdelay $0x3  }
0x34: {  	[smem:$0x3FB7] =	sst s10  }
0x35: {  	s10 =	sld [smem:$0x3FB6];
	_ =	sdelay $0x3  }
0x36: {  	p1 =	seq.s32 s10, $0x1;
	s10 =	sld [smem:$0x3FB7];
	_ =	sdelay $0x3  }
0x37: {  	[smem:$0x3FB7] =	sst s10  }
0x38: {  	s10 =	sld [smem:$0x3FB8]  }
0x39: {  	_ = 	snop;
	(pc) =	sbr.ind lr, $3  }
0x3a: {  	_ = 	snop  }
0x3b: {  	_ = 	snop  }
0x3c: {  	p2 =	seq.s32 s10, $0x1;
	s10 =	sld [smem:$0x3FB7]  }
0x3d: {  	_ =	shalt  }
0x3e: {  	_ =	shalt  }
0x3f: {  	_ =	shalt  }
0x40: {  	_ =	shalt  }
0x41: {  	_ =	shalt  }
0x42: {  	_ =	shalt  }
0x43: {  	_ =	shalt  }
0x44: {  	_ =	shalt  }
0x45: {  	_ =	shalt  }
0x46: {  	_ =	shalt  }
0x47: {  	_ =	shalt  }
0x48: {  	_ =	shalt  }
0x49: {  	_ =	shalt  }
0x4a: {  	_ =	shalt  }
0x4b: {  	_ =	shalt  }
0x4c: {  	_ =	shalt  }
0x4d: {  	_ =	shalt  }
0x4e: {  	_ =	shalt  }
0x4f: {  	_ =	shalt  }
0x50: {  	_ =	shalt  }
0x51: {  	_ =	shalt  }
0x52: {  	_ =	shalt  }
0x53: {  	_ =	shalt  }
0x54: {  	_ =	shalt  }
0x55: {  	_ =	shalt  }
0x56: {  	_ =	shalt  }
0x57: {  	_ =	shalt  }
0x58: {  	_ =	shalt  }
0x59: {  	_ =	shalt  }
0x5a: {  	_ =	shalt  }
0x5b: {  	_ =	shalt  }
0x5c: {  	_ =	shalt  }
0x5d: {  	_ =	shalt  }
0x5e: {  	_ =	shalt  }
0x5f: {  	_ =	shalt  }
0x60: {  	_ =	shalt  }
0x61: {  	_ =	shalt  }
0x62: {  	_ =	shalt  }
0x63: {  	_ =	shalt  }
0x64: {  	_ =	shalt  }
0x65: {  	_ =	shalt  }
0x66: {  	_ =	shalt  }
0x67: {  	_ =	shalt  }
0x68: {  	_ =	shalt  }
0x69: {  	_ =	shalt  }
0x6a: {  	_ =	shalt  }
0x6b: {  	_ =	shalt  }
0x6c: {  	_ =	shalt  }
0x6d: {  	_ =	shalt  }
0x6e: {  	_ =	shalt  }
0x6f: {  	_ =	shalt  }
0x70: {  	_ =	shalt  }
0x71: {  	_ =	shalt  }
0x72: {  	_ =	shalt  }
0x73: {  	_ =	shalt  }
0x74: {  	_ =	shalt  }
0x75: {  	_ =	shalt  }
0x76: {  	_ =	shalt  }
0x77: {  	_ =	shalt  }
0x78: {  	_ =	shalt  }
0x79: {  	_ =	shalt  }
0x7a: {  	_ =	shalt  }
0x7b: {  	_ =	shalt  }
0x7c: {  	_ =	shalt  }
0x7d: {  	_ =	shalt  }
0x7e: {  	_ =	shalt  }
0x7f: {  	_ =	shalt  }
0x80: {  	_ =	shalt  }
0x81: {  	_ =	shalt  }
0x82: {  	_ =	shalt  }
0x83: {  	_ =	shalt  }
0x84: {  	_ =	shalt  }
0x85: {  	_ =	shalt  }
0x86: {  	_ =	shalt  }
0x87: {  	_ =	shalt  }
.Lfunc_end0:
.L_simem_size_0:
called_computation.1_lowered:
.L_overlay_start_0:
0x88: {  	s2 =	sld [smem:$0x3FD9]  }
0x89: {  	s3 =	sld [smem:$0x3FFE];
	_ =	sdelay $0x1  }
0x8a: {  	s1 =	srdreg.scid  }
0x8b: {  	s0 =	sand.u32 $0x1, s1  }
0x8c: {  	s17 =	sshll.u32 s0, $0xA;
	s2 =	sadd.s32 s3, s2  }
0x8d: {  	s2 =	sadd.s32 s2, s17  }
0x8e: {  	[smem:$0x3FC3] =	sst s2  }
0x8f: {  	_ = 	snop  }
0x90: {  	s2 =	sld [smem:$0x3FD0];
	(tm) =	ssettm $0x1  }
0x91: {  	s18 =	sld [smem:$0x3FFB];
	_ =	sdelay $0x3  }
0x92: {  	_ =	strace s18  }
0x93: {  	s3 =	sld [smem:$0x3FFC];
	_ =	sdelay $0x3  }
0x94: {  	_ =	strace s3  }
0x95: {  	s3 =	sld [smem:$0x3FFD];
	_ =	sdelay $0x3  }
0x96: {  	_ =	strace s3  }
0x97: {  	_ =	strace $0x8FFFFFFF  }
0x98: {  	s19 =	sld [smem:$0x3FDB];
	_ =	sdelay $0x1  }
0x99: {  	s4 =	simm.s32 $_scs_section_size  }
0x9a: {  	s5 =	simm.s32 $_size__tile_overlayer_lowered;
	s6 =	simm.s32 $_tile_overlayer_lowered  }
0x9b: {  	s22 =	simm.s32 $0x1BFF;
	s21 =	sshll.u32 s6, $0x1;
	s3 =	sadd.s32 s4, s19  }
0x9c: {  	s7 =	simm.s32 $0x0;
	s20 =	sshll.u32 s5, $0x1;
	s5 =	sadd.s32 s21, s3  }
0x9d: {  	[timem:s7], [sflag:s22] =	dma.local [hbm:s5], s20  }
0x9e: {  	_ =	swait.ge [sflag:s22], s20  }
0x9f: {  	s4 =	ssub.s32 $0x0, s20;
	[sflag:s22] =	ssyncset.done $0x0  }
0xa0: {  	[sflag:s22] =	ssyncadd.s32 s4;
	_ =	sdelay $0x1  }
0xa1: {  	s23 =	simm.s32 $0x1B8B  }
0xa2: {  	_ =	swait.ge [sflag:s23], $0x1  }
0xa3: {  	[sflag:s23] =	ssyncset.done $0x0  }
0xa4: {  	s25 =	simm.s32 $0x1B8E;
	s24 =	sld [smem:$0x3FFE];
	[sflag:s23] =	ssyncadd.s32 $0xFFFFFFFF  }
0xa5: {  	s26 =	simm.s32 $execute0_lowered;
	[smem:$0x3FD2] =	sst s25  }
0xa6: {  	s5 =	sshll.u32 s26, $0x1;
	_ =	strace $0x80000046;
	[dreg:$0x1] =	wrdreg $0xFFFFFFFF  }
0xa7: {  	s28 =	simm.s32 $_size_execute0_lowered;
	s3 =	sadd.s32 s3, s5;
	[dreg:$0x0] =	wrdreg $0x0  }
0xa8: {  	s5 =	sshll.u32 s28, $0x1;
	[dreg:$0x2] =	wrdreg s3  }
0xa9: {  	[dreg:$0x3] =	wrdreg s5  }
0xaa: {  	[dreg:$0x4] =	wrdreg $0xC0  }
0xab: {  	_ =	task [dreg:s7], $0x5FFFF  }
0xac: {  	[dreg:$0x1] =	wrdreg $0xFFFFFFFF  }
0xad: {  	[dreg:$0x0] =	wrdreg $0x60  }
0xae: {  	[dreg:$0x2] =	wrdreg s24  }
0xaf: {  	[dreg:$0x3] =	wrdreg s2  }
0xb0: {  	[dreg:$0x4] =	wrdreg $0x170800  }
0xb1: {  	[dreg:$0x5] =	wrdreg $0x9  }
0xb2: {  	_ =	task.clear_ibuf [dreg:s7], $0x6FFFF;
	_ =	strace $0x90000046  }
0xb3: {  	s29 =	simm.s32 $0x9;
	_ =	strace $0x80000048  }
0xb4: {  	_ =	swait.ge [sflag:s29], $0x1  }
0xb5: {  	[sflag:s29] =	ssyncadd.s32 $0xFFFFFFFF  }
0xb6: {  	_ =	strace $0x90000048  }
0xb7: {  	_ =	sfence  }
0xb8: {  	s30 =	sld [smem:$0x0];
	_ =	sdelay $0x2  }
0xb9: {  	s31 =	sshll.u32 s1, $0xD;
	s1 =	sshrl.u32 s1, $0x2  }
0xba: {  	s3 =	sand.u32 $0x4000, s31;
	s1 =	sadd.s32 s1, s30  }
0xbb: {  	s0 =	sor.u32 s3, s0;
	s1 =	sshll.u32 s1, $0x11  }
0xbc: {  	s0 =	sor.u32 s1, s0  }
0xbd: {  	s0 =	sadd.s32 $0x8F2B, s0  }
0xbe: {  	[sflag:s0] =	ssyncadd.remote.s32 $0x1  }
0xbf: {  	_ =	sfence.sel $0xFFFF  }
0xc0: {  	[dreg:$0x0] =	wrdreg $0xFFFFFFFF;
	(pc) =	sbr.abs _section_cstart, $3  }
0xc1: {  	[dreg:$0x1] =	wrdreg $0xFFFFFFFF  }
0xc2: {  	_ =	task.clear_ibuf [dreg:s7], $0x2FFFF;
	_ =	strace $0x9FFFFFFF  }
0xc3: {  	(tm) =	ssettm $0x7FFFFFFF  }
tec
execute0_lowered:
.L_overlay_start_1:
0x0: {  	(tag) =	ssettag $0x1  }
0x1: {  	s0 =	rddreg [dreg:$0x0]  }
0x2: {  	s2 =	rddreg [dreg:$0x1]  }
0x3: {  	s3 =	rddreg [dreg:$0x2]  }
0x4: {  	s10 =	stileid.u32;
	s1 =	srdreg.scid;
	s5 =	simm.s32 $0x0  }
0x5: {  	s15 =	simm.s32 $0x3;
	s16 =	simm.s32 $0x200;
	s17 =	simm.s32 $0x3E8  }
0x6: {  	s22 =	simm.s32 $0x40;
	s23 =	simm.s32 $0x7080;
	s24 =	simm.s32 $0x1  }
0x7: {  	s28 =	simm.s32 $0x0;
	s4 =	smul.u32 $0x190, s10;
	s1 =	sand.u32 $0x1, s1  }
0x8: {  	[smem:$0x7FF] =	sst s5;
	s6 =	sadd.s32 $0x2800, s0;
	s8 =	smul.u32 $0xF618, s10  }
0x9: {  	s9 =	smul.u32 $0x1F800, s10;
	s31 =	sshll.u32 s10, $0x11;
	p0 =	seq.s32 s10, $0xF  }
0xa: {  	s5 =	smul.u32 $0x1E8, s1;
	_ =	strace $0x80000047;
	s1 =	ssub.s32 $0x2, s1  }
0xb: {  	s11 =	sshrl.u32 s31, $0x2;
	s4 =	sadd.s32 s4, s0;
	s25 =	sshrl.u32 s1, $0x1  }
0xc: {  	s29 =	sshrl.u32 s9, $0x2;
	s9 =	sshll.u32 s10, $0x6;
	s13 =	sor.u32 $0x80D80, s11  }
0xd: {  	s7 =	sshrl.u32 s5, $0x3;
	s1 =	ssub.s32 s1, s25;
	s4 =	sadd.s32 $0xE00, s4  }
0xe: {  	s26 =	sadd.s32 s5, s8;
	s30 =	sadd.s32 $0xE6B68, s5;
	s14 =	sor.u32 $0x400, s9  }
0xf: {  	s25 =	simm.s32 $0xF080;
	s0 =	sadd.s32 s7, s0;
	[dreg:$0x4] =	wrdreg s4  }
0x10: {  	s4 =	sshrl.u32 s26, $0x3;
	s7 =	sadd.s32 $0x76200, s3;
	s1 =	smax.u32 s1, $0x1  }
0x11: {  	s26 =	simm.s32 $0x2;
	s4 =	sadd.s32 s6, s4;
	[dreg:$0x8] =	wrdreg s1  }
0x12: {  	s0 =	sadd.s32 $0x21200, s0;
	[dreg:$0x6] =	wrdreg s4;
	s4 =	sshrl.u32 s30, $0x3  }
0x13: {  	s1 =	sshll.u32 @!p0 s10, $0x6;
	[dreg:$0x5] =	wrdreg s0;
	s4 =	sadd.s32 s6, s4  }
0x14: {  	s0 =	sadd.s32 s29, s3;
	[dreg:$0x7] =	wrdreg s4;
	s4 =	sshrl.u32 @p0 s7, $0x3  }
0x15: {  	s20 =	sor.u32 @!p0 $0x1C03, s1;
	s21 =	sshrl.u32 @!p0 s0, $0x3;
	[dreg:$0x9] =	wrdreg s4  }
.LBB2_1:
0x16: {  	s7 =	simm.s32 $0x0;
	s0 =	rddreg [dreg:$0x4]  }
0x17: {  	[tilespmem:s7], [sflag:$0x3] =	stream.linear.gather [hbm4b:s0+s7], $0xC80, $0x38;
	[tilespmem:$0x1ED80] =	vst v63  }
0x18: {  	_ =	swait.ge [sflag:s15], $0xC80  }
0x19: {  	[sflag:s15] =	ssyncset.done $0x0  }
0x1a: {  	s1 =	simm.s32 $0xC80;
	s31 =	rddreg [dreg:$0x5];
	[sflag:s15] =	ssyncadd.s32 $0xFFFFF380  }
0x1b: {  	[tilespmem:s1], [sflag:$0x3] =	stream.strided.gather [hbm4b:s31+s16], $0x6400, s17, s16, $0x38;
	[tilespmem:$0x1ED80] =	vst v63  }
0x1c: {  	s4 =	simm.s32 @p0 $0x7D;
	s6 =	simm.s32 @p0 $0x1FC3;
	_ =	swait.ge [sflag:s15], $0x6400  }
0x1d: {  	s0 =	simm.s32 @p0 $0x4;
	[sflag:s15] =	ssyncset.done $0x0;
	s8 =	rddreg [dreg:$0x7]  }
0x1e: {  	s1 =	simm.s32 @p0 $0x40;
	s10 =	rddreg [dreg:$0x9];
	[sflag:s15] =	ssyncadd.s32 $0xFFFF9C00  }
0x1f: {  	[spmem:s10@s1], [sflag:s6] =	dma.strided @p0 [hbm:s8@s4], $0xDC0, s0, $0x10   }
0x20: {  	s0 =	simm.s32 @p0 $0x3  }
0x21: {  	_ =	swait.ge @p0 [sflag:s0], $0xDC0  }
0x22: {  	s1 =	simm.s32 @!p0 $0x40;
	s4 =	simm.s32 @!p0 $0x7D;
	[sflag:s0] =	ssyncset.done @p0 $0x0  }
0x23: {  	s6 =	rddreg [dreg:$0x6];
	[sflag:s0] =	ssyncadd.s32 @p0 $0xFFFFF240;
	s0 =	simm.s32 @!p0 $0x4  }
0x24: {  	[spmem:s21@s1], [sflag:s20] =	dma.strided @!p0 [hbm:s6@s4], $0xFC0, s0, $0x10   }
0x25: {  	s0 =	simm.s32 @!p0 $0x3  }
0x26: {  	_ =	swait.ge @!p0 [sflag:s0], $0xFC0  }
0x27: {  	s29 =	smov.u32 s14;
	[sflag:s0] =	ssyncset.done @!p0 $0x0  }
0x28: {  	s30 =	smov.u32 s13;
	s10 =	smov.u32 s9;
	[sflag:s0] =	ssyncadd.s32 @!p0 $0xFFFFF040  }
0x29: {  	s1 =	simm.s32 $0x0;
	s0 =	simm.s32 $0x0;
	[bflag:$0x0] =	sbarrier.arrive $0xFFFF  }
0x2a: {  	[tilespmem:s23], [sflag:$0x1] =	stream.indirect.gather [spmem:s3], $0x200, s7, s22, $0xb8;
	[tilespmem:$0x1ED80] =	vst v63  }
.LBB2_2:
0x2b: {  	_ =	swait.ge [sflag:s24], $0x8000  }
0x2c: {  	p1 =	seq.s32 s1, $0x0;
	[sflag:s24] =	ssyncset.done $0x0  }
0x2d: {  	s4 =	sshll.u32 s1, $0x1;
	s6 =	simm.s32 @!p1 $0x2;
	[sflag:s24] =	ssyncadd.s32 $0xFFFF8000  }
0x2e: {  	s18 =	sor.u32 $0x1, s4;
	_ =	swait.ge @!p1 [sflag:s6], $0x8000  }
0x2f: {  	s4 =	sshll.u32 s18, $0x6;
	[sflag:s6] =	ssyncset.done @!p1 $0x0  }
0x30: {  	s4 =	sand.u32 $0x3FFFFFC0, s4;
	[sflag:s6] =	ssyncadd.s32 @!p1 $0xFFFF8000  }
0x31: {  	[tilespmem:s25], [sflag:$0x1] =	stream.indirect.gather [spmem:s3], $0x200, s4, s22, $0xb8;
	[tilespmem:$0x1ED80] =	vst v63  }
0x32: {  	s4 =	simm.s32 $0x0  }
0x33: {  	v21 =	vld [tilespmem:s4+$0x7080]  }
0x34: {  	v22 =	vld [tilespmem:s4+$0x7090]  }
0x35: {  	v23 =	vld [tilespmem:s4+$0x70A0]  }
0x36: {  	v24 =	vld [tilespmem:s4+$0x70B0]  }
0x37: {  	v25 =	vld [tilespmem:s4+$0x70C0]  }
0x38: {  	v28 =	vld [tilespmem:s4+$0x70D0]  }
0x39: {  	v29 =	vld [tilespmem:s4+$0x70E0]  }
0x3a: {  	v30 =	vld [tilespmem:s4+$0x70F0]  }
0x3b: {  	v31 =	vld [tilespmem:s4+$0x7100]  }
0x3c: {  	v36 =	vld [tilespmem:s4+$0x7110]  }
0x3d: {  	v37 =	vld [tilespmem:s4+$0x7120]  }
0x3e: {  	v19 =	vld [tilespmem:s4+$0x7130]  }
0x3f: {  	v18 =	vld [tilespmem:s4+$0x7140]  }
0x40: {  	v17 =	vld [tilespmem:s4+$0x7150]  }
0x41: {  	v16 =	vld [tilespmem:s4+$0x7160]  }
0x42: {  	v15 =	vld [tilespmem:s4+$0x7170]  }
0x43: {  	v14 =	vld [tilespmem:s4+$0x7180]  }
0x44: {  	v13 =	vld [tilespmem:s4+$0x7190]  }
0x45: {  	v12 =	vld [tilespmem:s4+$0x71A0]  }
0x46: {  	v11 =	vld [tilespmem:s4+$0x71B0]  }
0x47: {  	v9 =	vld [tilespmem:s4+$0x71C0]  }
0x48: {  	v8 =	vld [tilespmem:s4+$0x71D0]  }
0x49: {  	v7 =	vld [tilespmem:s4+$0x71E0]  }
0x4a: {  	s12 =	smulhi.u32 $0x51EB851F, s10;
	v10 =	vld [tilespmem:s4+$0x71F0]  }
0x4b: {  	v4 =	vld [tilespmem:s4+$0x7200]  }
0x4c: {  	s6 =	sshrl.u32 s12, $0x4;
	v5 =	vld [tilespmem:s4+$0x7210]  }
0x4d: {  	s6 =	smul.u32 $0xFFFE7000, s6;
	v6 =	vld [tilespmem:s4+$0x7220]  }
0x4e: {  	v1 =	vld [tilespmem:s4+$0x7230]  }
0x4f: {  	v2 =	vld [tilespmem:s4+$0x7240];
	s6 =	sshra.s32 s6, $0x2  }
0x50: {  	s7 =	sshra.s32 s0, $0x2;
	v3 =	vld [tilespmem:s4+$0x7250];
	s6 =	sadd.s32 s11, s6  }
0x51: {  	v0 =	vld [tilespmem:s4+$0x7260];
	s6 =	sadd.s32 s7, s6  }
0x52: {  	v20 =	vld [tilespmem:s4+$0x7270];
	s12 =	sadd.s32 $0x0, s6  }
0x53: {  	v26 =	vld [tilespmem:s12+$0xC80]  }
0x54: {  	v27 =	vld [tilespmem:s12+$0xC90]  }
0x55: {  	v32 =	vld [tilespmem:s12+$0xCA0]  }
0x56: {  	v33 =	vld [tilespmem:s12+$0xCB0]  }
0x57: {  	v34 =	vld [tilespmem:s12+$0xCC0]  }
0x58: {  	v35 =	vld [tilespmem:s12+$0xCD0]  }
0x59: {  	v38 =	vld [tilespmem:s12+$0xCE0]  }
0x5a: {  	v39 =	vld [tilespmem:s12+$0xCF0]  }
0x5b: {  	v40 =	vld [tilespmem:s12+$0xD00]  }
0x5c: {  	v41 =	vld [tilespmem:s12+$0xD10]  }
0x5d: {  	v42 =	vld [tilespmem:s12+$0xD20];
	v26 =	vadd.f32 v26, v21  }
0x5e: {  	v27 =	vadd.f32 v27, v22;
	v22 =	vadd.f32 v32, v23;
	v32 =	vld [tilespmem:s12+$0xD30]  }
0x5f: {  	v23 =	vadd.f32 v33, v24;
	v21 =	vadd.f32 v34, v25;
	v33 =	vld [tilespmem:s12+$0xD40]  }
0x60: {  	v24 =	vadd.f32 v35, v28;
	v25 =	vadd.f32 v38, v29;
	v34 =	vld [tilespmem:s12+$0xD50]  }
0x61: {  	s19 =	sshll.u32 s1, $0xB;
	v28 =	vadd.f32 v39, v30;
	v29 =	vadd.f32 v40, v31;
	v35 =	vld [tilespmem:s12+$0xD60]  }
0x62: {  	s8 =	simm.s32 $0x800;
	s31 =	smov.u32 s10;
	s6 =	sor.u32 s9, s19;
	v30 =	vadd.f32 v41, v36;
	v36 =	vld [tilespmem:s12+$0xD70];
	v31 =	vadd.f32 v42, v37  }
.LBB2_3:
0x63: {  	p1 =	sne.s32 s8, $0x1F800;
	v37 =	vld [tilespmem:s12+$0xD80];
	v19 =	vadd.f32 v32, v19  }
0x64: {  	v32 =	vld [tilespmem:s12+$0xD90];
	v18 =	vadd.f32 v33, v18  }
0x65: {  	v33 =	vld [tilespmem:s12+$0xDA0];
	v17 =	vadd.f32 v34, v17  }
0x66: {  	v34 =	vld [tilespmem:s12+$0xDB0];
	v16 =	vadd.f32 v35, v16  }
0x67: {  	v35 =	vld [tilespmem:s12+$0xDC0];
	v15 =	vadd.f32 v36, v15  }
0x68: {  	v36 =	vld [tilespmem:s12+$0xDD0];
	v14 =	vadd.f32 v37, v14  }
0x69: {  	v37 =	vld [tilespmem:s12+$0xDE0];
	v13 =	vadd.f32 v32, v13  }
0x6a: {  	v32 =	vld [tilespmem:s12+$0xDF0];
	v12 =	vadd.f32 v33, v12  }
0x6b: {  	v33 =	vld [tilespmem:s12+$0xE70];
	v11 =	vadd.f32 v34, v11  }
0x6c: {  	v34 =	vld [tilespmem:s12+$0xE00];
	v9 =	vadd.f32 v35, v9  }
0x6d: {  	v35 =	vld [tilespmem:s12+$0xE10];
	v8 =	vadd.f32 v36, v8  }
0x6e: {  	v36 =	vld [tilespmem:s12+$0xE20];
	v7 =	vadd.f32 v37, v7  }
0x6f: {  	v37 =	vld [tilespmem:s12+$0xE30];
	v10 =	vadd.f32 v32, v10  }
0x70: {  	v32 =	vld [tilespmem:s12+$0xE40];
	v20 =	vadd.f32 v33, v20  }
0x71: {  	v33 =	vld [tilespmem:s12+$0xE50];
	v4 =	vadd.f32 v34, v4  }
0x72: {  	v34 =	vld [tilespmem:s12+$0xE60];
	v5 =	vadd.f32 v35, v5;
	[tilespmem:s4+$0x7270] =	vst v20  }
0x73: {  	s12 =	sshra.s32 s8, $0x2;
	v6 =	vadd.f32 v36, v6;
	[tilespmem:s4+$0x7080] =	vst v26  }
0x74: {  	v26 =	vld [tilespmem:s12+$0x7080];
	v1 =	vadd.f32 v37, v1;
	[tilespmem:s4+$0x7090] =	vst v27  }
0x75: {  	v27 =	vld [tilespmem:s12+$0x7090];
	v2 =	vadd.f32 v32, v2;
	[tilespmem:s4+$0x70A0] =	vst v22  }
0x76: {  	v22 =	vld [tilespmem:s12+$0x70A0];
	v3 =	vadd.f32 v33, v3;
	[tilespmem:s4+$0x70B0] =	vst v23  }
0x77: {  	v23 =	vld [tilespmem:s12+$0x70B0];
	v0 =	vadd.f32 v34, v0;
	[tilespmem:s4+$0x70C0] =	vst v21  }
0x78: {  	v21 =	vld [tilespmem:s12+$0x70C0];
	[tilespmem:s4+$0x70D0] =	vst v24  }
0x79: {  	v24 =	vld [tilespmem:s12+$0x70D0];
	[tilespmem:s4+$0x70E0] =	vst v25  }
0x7a: {  	v25 =	vld [tilespmem:s12+$0x70E0];
	[tilespmem:s4+$0x70F0] =	vst v28  }
0x7b: {  	v28 =	vld [tilespmem:s12+$0x70F0];
	[tilespmem:s4+$0x7100] =	vst v29  }
0x7c: {  	v29 =	vld [tilespmem:s12+$0x7100];
	[tilespmem:s4+$0x7110] =	vst v30  }
0x7d: {  	v30 =	vld [tilespmem:s12+$0x7110];
	[tilespmem:s4+$0x7120] =	vst v31  }
0x7e: {  	v31 =	vld [tilespmem:s12+$0x7120];
	[tilespmem:s4+$0x7130] =	vst v19  }
0x7f: {  	v19 =	vld [tilespmem:s12+$0x7130];
	[tilespmem:s4+$0x7140] =	vst v18  }
0x80: {  	v18 =	vld [tilespmem:s12+$0x7140];
	[tilespmem:s4+$0x7150] =	vst v17  }
0x81: {  	v17 =	vld [tilespmem:s12+$0x7150];
	[tilespmem:s4+$0x7160] =	vst v16  }
0x82: {  	v16 =	vld [tilespmem:s12+$0x7160];
	[tilespmem:s4+$0x7170] =	vst v15  }
0x83: {  	v15 =	vld [tilespmem:s12+$0x7170];
	[tilespmem:s4+$0x7180] =	vst v14  }
0x84: {  	v14 =	vld [tilespmem:s12+$0x7180];
	[tilespmem:s4+$0x7190] =	vst v13  }
0x85: {  	v13 =	vld [tilespmem:s12+$0x7190];
	[tilespmem:s4+$0x71A0] =	vst v12  }
0x86: {  	v12 =	vld [tilespmem:s12+$0x71A0];
	[tilespmem:s4+$0x71B0] =	vst v11  }
0x87: {  	v11 =	vld [tilespmem:s12+$0x71B0];
	[tilespmem:s4+$0x71C0] =	vst v9  }
0x88: {  	v9 =	vld [tilespmem:s12+$0x71C0];
	[tilespmem:s4+$0x71D0] =	vst v8  }
0x89: {  	v8 =	vld [tilespmem:s12+$0x71D0];
	[tilespmem:s4+$0x71E0] =	vst v7  }
0x8a: {  	s31 =	sadd.s32 $0x1, s31;
	v7 =	vld [tilespmem:s12+$0x71E0];
	[tilespmem:s4+$0x71F0] =	vst v10  }
0x8b: {  	s19 =	smulhi.u32 $0x51EB851F, s31;
	v10 =	vld [tilespmem:s12+$0x71F0];
	[tilespmem:s4+$0x7200] =	vst v4  }
0x8c: {  	v4 =	vld [tilespmem:s12+$0x7200];
	[tilespmem:s4+$0x7210] =	vst v5  }
0x8d: {  	s19 =	sshrl.u32 s19, $0x4;
	v5 =	vld [tilespmem:s12+$0x7210];
	[tilespmem:s4+$0x7220] =	vst v6  }
0x8e: {  	s19 =	smul.u32 $0xFFFE7000, s19;
	v6 =	vld [tilespmem:s12+$0x7220];
	[tilespmem:s4+$0x7230] =	vst v1  }
0x8f: {  	v1 =	vld [tilespmem:s12+$0x7230];
	[tilespmem:s4+$0x7240] =	vst v2  }
0x90: {  	s19 =	sshra.s32 s19, $0x2;
	v2 =	vld [tilespmem:s12+$0x7240];
	[tilespmem:s4+$0x7250] =	vst v3  }
0x91: {  	s19 =	sadd.s32 s11, s19;
	v3 =	vld [tilespmem:s12+$0x7250];
	[tilespmem:s4+$0x7260] =	vst v0;
	s4 =	smov.u32 s12  }
0x92: {  	s12 =	sadd.s32 s7, s19;
	v0 =	vld [tilespmem:s4+$0x7260]  }
0x93: {  	s12 =	sadd.s32 s4, s12;
	v20 =	vld [tilespmem:s4+$0x7270]  }
0x94: {  	v32 =	vld [tilespmem:s12+$0xC80]  }
0x95: {  	v33 =	vld [tilespmem:s12+$0xC90]  }
0x96: {  	v34 =	vld [tilespmem:s12+$0xCA0]  }
0x97: {  	v35 =	vld [tilespmem:s12+$0xCB0]  }
0x98: {  	v36 =	vld [tilespmem:s12+$0xCC0]  }
0x99: {  	v37 =	vld [tilespmem:s12+$0xCD0];
	v26 =	vadd.f32 v32, v26  }
0x9a: {  	v38 =	vld [tilespmem:s12+$0xCE0];
	v27 =	vadd.f32 v33, v27  }
0x9b: {  	v39 =	vld [tilespmem:s12+$0xCF0];
	v22 =	vadd.f32 v34, v22  }
0x9c: {  	v40 =	vld [tilespmem:s12+$0xD00];
	v23 =	vadd.f32 v35, v23  }
0x9d: {  	v41 =	vld [tilespmem:s12+$0xD10];
	v21 =	vadd.f32 v36, v21  }
0x9e: {  	v42 =	vld [tilespmem:s12+$0xD20];
	v24 =	vadd.f32 v37, v24  }
.Ltmp0:
0x9f: {  	v32 =	vld [tilespmem:s12+$0xD30];
	v25 =	vadd.f32 v38, v25;
	(pc) =	sbr.rel @p1 .LBB2_3-.Ltmp0, $4  }
0xa0: {  	v33 =	vld [tilespmem:s12+$0xD40];
	v28 =	vadd.f32 v39, v28  }
0xa1: {  	v34 =	vld [tilespmem:s12+$0xD50];
	v29 =	vadd.f32 v40, v29  }
0xa2: {  	v35 =	vld [tilespmem:s12+$0xD60];
	v30 =	vadd.f32 v41, v30  }
0xa3: {  	s8 =	sadd.s32 $0x800, s8;
	v36 =	vld [tilespmem:s12+$0xD70];
	v31 =	vadd.f32 v42, v31  }
0xa4: {  	v37 =	vld [tilespmem:s12+$0xD80]  }
0xa5: {  	v38 =	vld [tilespmem:s12+$0xD90]  }
0xa6: {  	v39 =	vld [tilespmem:s12+$0xDA0]  }
0xa7: {  	v40 =	vld [tilespmem:s12+$0xDB0]  }
0xa8: {  	v41 =	vld [tilespmem:s12+$0xDC0]  }
0xa9: {  	v42 =	vld [tilespmem:s12+$0xDD0]  }
0xaa: {  	v43 =	vld [tilespmem:s12+$0xDE0]  }
0xab: {  	v44 =	vld [tilespmem:s12+$0xDF0]  }
0xac: {  	v45 =	vld [tilespmem:s12+$0xE70]  }
0xad: {  	v46 =	vld [tilespmem:s12+$0xE00]  }
0xae: {  	v47 =	vld [tilespmem:s12+$0xE10]  }
0xaf: {  	v48 =	vld [tilespmem:s12+$0xE20]  }
0xb0: {  	v49 =	vld [tilespmem:s12+$0xE30]  }
0xb1: {  	v50 =	vld [tilespmem:s12+$0xE40]  }
0xb2: {  	v63 =	vld [tilespmem:s12+$0xE50]  }
0xb3: {  	v51 =	vld [tilespmem:s12+$0xE60];
	[tilespmem:s4+$0x7080] =	vst v26  }
0xb4: {  	[tilespmem:s4+$0x7090] =	vst v27  }
0xb5: {  	[tilespmem:s4+$0x70A0] =	vst v22  }
0xb6: {  	[tilespmem:s4+$0x70B0] =	vst v23  }
0xb7: {  	[tilespmem:s4+$0x70C0] =	vst v21  }
0xb8: {  	[tilespmem:s4+$0x70D0] =	vst v24  }
0xb9: {  	[tilespmem:s4+$0x70E0] =	vst v25  }
0xba: {  	[tilespmem:s4+$0x70F0] =	vst v28  }
0xbb: {  	[tilespmem:s4+$0x7100] =	vst v29  }
0xbc: {  	v19 =	vadd.f32 v32, v19;
	[tilespmem:s4+$0x7110] =	vst v30  }
0xbd: {  	v18 =	vadd.f32 v33, v18;
	[tilespmem:s4+$0x7120] =	vst v31  }
0xbe: {  	v17 =	vadd.f32 v34, v17;
	[tilespmem:s4+$0x7130] =	vst v19  }
0xbf: {  	v16 =	vadd.f32 v35, v16;
	[tilespmem:s4+$0x7140] =	vst v18  }
0xc0: {  	v15 =	vadd.f32 v36, v15;
	[tilespmem:s4+$0x7150] =	vst v17  }
0xc1: {  	v20 =	vadd.f32 v45, v20;
	[tilespmem:s4+$0x7160] =	vst v16  }
0xc2: {  	v14 =	vadd.f32 v37, v14;
	[tilespmem:s4+$0x7170] =	vst v15  }
0xc3: {  	v13 =	vadd.f32 v38, v13;
	[tilespmem:s4+$0x7270] =	vst v20  }
0xc4: {  	v12 =	vadd.f32 v39, v12;
	[tilespmem:s4+$0x7180] =	vst v14  }
0xc5: {  	v11 =	vadd.f32 v40, v11;
	[tilespmem:s4+$0x7190] =	vst v13  }
0xc6: {  	v9 =	vadd.f32 v41, v9;
	[tilespmem:s4+$0x71A0] =	vst v12  }
0xc7: {  	v8 =	vadd.f32 v42, v8;
	[tilespmem:s4+$0x71B0] =	vst v11  }
0xc8: {  	v7 =	vadd.f32 v43, v7;
	[tilespmem:s4+$0x71C0] =	vst v9  }
0xc9: {  	v4 =	vadd.f32 v46, v4;
	[tilespmem:s4+$0x71D0] =	vst v8  }
0xca: {  	v5 =	vadd.f32 v47, v5;
	[tilespmem:s4+$0x71E0] =	vst v7  }
0xcb: {  	v6 =	vadd.f32 v48, v6;
	[tilespmem:s4+$0x7200] =	vst v4  }
0xcc: {  	v1 =	vadd.f32 v49, v1;
	[tilespmem:s4+$0x7210] =	vst v5  }
0xcd: {  	v2 =	vadd.f32 v50, v2;
	[tilespmem:s4+$0x7220] =	vst v6  }
0xce: {  	s6 =	smul.u32 $0x3E8, s6;
	v3 =	vadd.f32 v63, v3;
	[tilespmem:s4+$0x7230] =	vst v1  }
0xcf: {  	v0 =	vadd.f32 v51, v0;
	[tilespmem:s4+$0x7240] =	vst v2  }
0xd0: {  	s6 =	sor.u32 s5, s6;
	v9 =	vadd.f32 v44, v10;
	[tilespmem:s4+$0x7250] =	vst v3  }
0xd1: {  	s6 =	sshrl.u32 s6, $0x3;
	[tilespmem:s4+$0x7260] =	vst v0  }
0xd2: {  	s8 =	sadd.s32 s2, s6;
	[tilespmem:s4+$0x71F0] =	vst v9  }
0xd3: {  	[hbm4b:s8+s16] =	stream.strided.scatter [tilespmem:s23], [sflag:$0x2], $0x8000, s17, s16, $0x38;
	[tilespmem:$0x1ED80] =	vst v63  }
0xd4: {  	_ =	swait.ge [sflag:s24], $0x8000  }
0xd5: {  	[sflag:s24] =	ssyncset.done $0x0  }
0xd6: {  	p1 =	seq.s32 s1, $0x18;
	[sflag:s24] =	ssyncadd.s32 $0xFFFF8000  }
0xd7: {  	s4 =	sshll.u32 @!p1 s1, $0x7;
	_ =	swait.ge [sflag:s26], $0x8000  }
0xd8: {  	s7 =	simm.s32 @!p1 $0x7080;
	s4 =	sand.u32 @!p1 $0x3FFFFF80, s4;
	[sflag:s26] =	ssyncset.done $0x0  }
0xd9: {  	s6 =	simm.s32 @!p1 $0x40;
	s4 =	sadd.s32 @!p1 $0x80, s4;
	[sflag:s26] =	ssyncadd.s32 $0xFFFF8000  }
0xda: {  	[tilespmem:s7], [sflag:$0x1] =	stream.indirect.gather @!p1 [spmem:s3], $0x200, s4, s6, $0xb8;
	[tilespmem:$0x1ED80] =	vst v63  }
0xdb: {  	s4 =	simm.s32 $0x0  }
0xdc: {  	v19 =	vld [tilespmem:s4+$0xF080]  }
0xdd: {  	v20 =	vld [tilespmem:s4+$0xF090]  }
0xde: {  	v21 =	vld [tilespmem:s4+$0xF0A0]  }
0xdf: {  	v22 =	vld [tilespmem:s4+$0xF0B0]  }
0xe0: {  	v23 =	vld [tilespmem:s4+$0xF0C0]  }
0xe1: {  	v26 =	vld [tilespmem:s4+$0xF0D0]  }
0xe2: {  	v27 =	vld [tilespmem:s4+$0xF0E0]  }
0xe3: {  	v28 =	vld [tilespmem:s4+$0xF0F0]  }
0xe4: {  	v29 =	vld [tilespmem:s4+$0xF100]  }
0xe5: {  	v30 =	vld [tilespmem:s4+$0xF110]  }
0xe6: {  	v31 =	vld [tilespmem:s4+$0xF120]  }
0xe7: {  	v51 =	vld [tilespmem:s4+$0xF130]  }
0xe8: {  	v52 =	vld [tilespmem:s4+$0xF140]  }
0xe9: {  	v17 =	vld [tilespmem:s4+$0xF150]  }
0xea: {  	v16 =	vld [tilespmem:s4+$0xF160]  }
0xeb: {  	v15 =	vld [tilespmem:s4+$0xF170]  }
0xec: {  	v14 =	vld [tilespmem:s4+$0xF180]  }
0xed: {  	v13 =	vld [tilespmem:s4+$0xF190]  }
0xee: {  	v12 =	vld [tilespmem:s4+$0xF1A0]  }
0xef: {  	v11 =	vld [tilespmem:s4+$0xF1B0]  }
0xf0: {  	v10 =	vld [tilespmem:s4+$0xF1C0]  }
0xf1: {  	v9 =	vld [tilespmem:s4+$0xF1D0]  }
0xf2: {  	v8 =	vld [tilespmem:s4+$0xF1E0]  }
0xf3: {  	v7 =	vld [tilespmem:s4+$0xF1F0]  }
0xf4: {  	v2 =	vld [tilespmem:s4+$0xF200]  }
0xf5: {  	s12 =	smulhi.u32 $0x51EB851F, s29;
	v6 =	vld [tilespmem:s4+$0xF210]  }
0xf6: {  	v3 =	vld [tilespmem:s4+$0xF220]  }
0xf7: {  	s6 =	sshrl.u32 s12, $0x4;
	v4 =	vld [tilespmem:s4+$0xF230]  }
0xf8: {  	s6 =	smul.u32 $0xFFFE7000, s6;
	v5 =	vld [tilespmem:s4+$0xF240]  }
0xf9: {  	v0 =	vld [tilespmem:s4+$0xF250]  }
0xfa: {  	v1 =	vld [tilespmem:s4+$0xF260];
	s6 =	sshra.s32 s6, $0x2  }
0xfb: {  	v18 =	vld [tilespmem:s4+$0xF270];
	s31 =	sadd.s32 s6, s30  }
0xfc: {  	v24 =	vld [tilespmem:s31+$0xFFFFFF00]  }
0xfd: {  	v25 =	vld [tilespmem:s31+$0xFFFFFF10]  }
0xfe: {  	v53 =	vld [tilespmem:s31+$0xFFFFFF20]  }
0xff: {  	v54 =	vld [tilespmem:s31+$0xFFFFFF30]  }
0x100: {  	v55 =	vld [tilespmem:s31+$0xFFFFFF40]  }
0x101: {  	v56 =	vld [tilespmem:s31+$0xFFFFFF50]  }
0x102: {  	v57 =	vld [tilespmem:s31+$0xFFFFFF60]  }
0x103: {  	v58 =	vld [tilespmem:s31+$0xFFFFFF70]  }
0x104: {  	v59 =	vld [tilespmem:s31+$0xFFFFFF80]  }
0x105: {  	v60 =	vld [tilespmem:s31+$0xFFFFFF90]  }
0x106: {  	v61 =	vld [tilespmem:s31+$0xFFFFFFA0]  }
0x107: {  	v62 =	vld [tilespmem:s31+$0xFFFFFFB0];
	v24 =	vadd.f32 v24, v19  }
0x108: {  	v63 =	vld [tilespmem:s31+$0xFFFFFFC0];
	v25 =	vadd.f32 v25, v20;
	v20 =	vadd.f32 v53, v21  }
0x109: {  	v32 =	vld [tilespmem:s31+$0xFFFFFFD0];
	v21 =	vadd.f32 v54, v22;
	v19 =	vadd.f32 v55, v23  }
0x10a: {  	v33 =	vld [tilespmem:s31+$0xFFFFFFE0];
	v22 =	vadd.f32 v56, v26;
	v23 =	vadd.f32 v57, v27  }
0x10b: {  	v34 =	vld [tilespmem:s31+$0xFFFFFFF0];
	v26 =	vadd.f32 v58, v28;
	v27 =	vadd.f32 v59, v29  }
0x10c: {  	s19 =	sshll.u32 s18, $0xA;
	s18 =	smov.u32 s30;
	v35 =	vld [tilespmem:s31+$0x0];
	v28 =	vadd.f32 v60, v30;
	v29 =	vadd.f32 v61, v31  }
0x10d: {  	s8 =	smov.u32 s29;
	s7 =	simm.s32 $0x800;
	s6 =	sor.u32 s9, s19;
	v36 =	vld [tilespmem:s31+$0x10];
	v30 =	vadd.f32 v62, v51;
	v31 =	vadd.f32 v63, v52  }
.LBB2_5:
0x10e: {  	p1 =	sne.s32 s7, $0x1F800;
	v37 =	vld [tilespmem:s31+$0x20];
	v17 =	vadd.f32 v32, v17  }
0x10f: {  	v32 =	vld [tilespmem:s31+$0x30];
	v16 =	vadd.f32 v33, v16  }
0x110: {  	v33 =	vld [tilespmem:s31+$0x40];
	v15 =	vadd.f32 v34, v15  }
0x111: {  	v34 =	vld [tilespmem:s31+$0x50];
	v14 =	vadd.f32 v35, v14  }
0x112: {  	v35 =	vld [tilespmem:s31+$0x60];
	v13 =	vadd.f32 v36, v13  }
0x113: {  	v36 =	vld [tilespmem:s31+$0x70];
	v12 =	vadd.f32 v37, v12  }
0x114: {  	v37 =	vld [tilespmem:s31+$0xF0];
	v11 =	vadd.f32 v32, v11  }
0x115: {  	v32 =	vld [tilespmem:s31+$0x80];
	v10 =	vadd.f32 v33, v10  }
0x116: {  	v33 =	vld [tilespmem:s31+$0x90];
	v9 =	vadd.f32 v34, v9  }
0x117: {  	v34 =	vld [tilespmem:s31+$0xA0];
	v8 =	vadd.f32 v35, v8  }
0x118: {  	v35 =	vld [tilespmem:s31+$0xB0];
	v7 =	vadd.f32 v36, v7  }
0x119: {  	v36 =	vld [tilespmem:s31+$0xC0];
	v18 =	vadd.f32 v37, v18  }
0x11a: {  	v37 =	vld [tilespmem:s31+$0xD0];
	v2 =	vadd.f32 v32, v2  }
0x11b: {  	v32 =	vld [tilespmem:s31+$0xE0];
	v6 =	vadd.f32 v33, v6;
	[tilespmem:s4+$0xF270] =	vst v18  }
0x11c: {  	s12 =	sshra.s32 s7, $0x2;
	v3 =	vadd.f32 v34, v3;
	[tilespmem:s4+$0xF080] =	vst v24  }
0x11d: {  	v24 =	vld [tilespmem:s12+$0xF080];
	v4 =	vadd.f32 v35, v4;
	[tilespmem:s4+$0xF090] =	vst v25  }
0x11e: {  	v25 =	vld [tilespmem:s12+$0xF090];
	v5 =	vadd.f32 v36, v5;
	[tilespmem:s4+$0xF0A0] =	vst v20  }
0x11f: {  	v20 =	vld [tilespmem:s12+$0xF0A0];
	v0 =	vadd.f32 v37, v0;
	[tilespmem:s4+$0xF0B0] =	vst v21  }
0x120: {  	v21 =	vld [tilespmem:s12+$0xF0B0];
	v1 =	vadd.f32 v32, v1;
	[tilespmem:s4+$0xF0C0] =	vst v19  }
0x121: {  	v19 =	vld [tilespmem:s12+$0xF0C0];
	[tilespmem:s4+$0xF0D0] =	vst v22  }
0x122: {  	v22 =	vld [tilespmem:s12+$0xF0D0];
	[tilespmem:s4+$0xF0E0] =	vst v23  }
0x123: {  	v23 =	vld [tilespmem:s12+$0xF0E0];
	[tilespmem:s4+$0xF0F0] =	vst v26  }
0x124: {  	v26 =	vld [tilespmem:s12+$0xF0F0];
	[tilespmem:s4+$0xF100] =	vst v27  }
0x125: {  	v27 =	vld [tilespmem:s12+$0xF100];
	[tilespmem:s4+$0xF110] =	vst v28  }
0x126: {  	v28 =	vld [tilespmem:s12+$0xF110];
	[tilespmem:s4+$0xF120] =	vst v29  }
0x127: {  	v29 =	vld [tilespmem:s12+$0xF120];
	[tilespmem:s4+$0xF130] =	vst v30  }
0x128: {  	v30 =	vld [tilespmem:s12+$0xF130];
	[tilespmem:s4+$0xF140] =	vst v31  }
0x129: {  	v31 =	vld [tilespmem:s12+$0xF140];
	[tilespmem:s4+$0xF150] =	vst v17  }
0x12a: {  	v17 =	vld [tilespmem:s12+$0xF150];
	[tilespmem:s4+$0xF160] =	vst v16  }
0x12b: {  	v16 =	vld [tilespmem:s12+$0xF160];
	[tilespmem:s4+$0xF170] =	vst v15  }
0x12c: {  	v15 =	vld [tilespmem:s12+$0xF170];
	[tilespmem:s4+$0xF180] =	vst v14  }
0x12d: {  	v14 =	vld [tilespmem:s12+$0xF180];
	[tilespmem:s4+$0xF190] =	vst v13  }
0x12e: {  	v13 =	vld [tilespmem:s12+$0xF190];
	[tilespmem:s4+$0xF1A0] =	vst v12  }
0x12f: {  	v12 =	vld [tilespmem:s12+$0xF1A0];
	[tilespmem:s4+$0xF1B0] =	vst v11  }
0x130: {  	v11 =	vld [tilespmem:s12+$0xF1B0];
	[tilespmem:s4+$0xF1C0] =	vst v10  }
0x131: {  	v10 =	vld [tilespmem:s12+$0xF1C0];
	[tilespmem:s4+$0xF1D0] =	vst v9  }
0x132: {  	v9 =	vld [tilespmem:s12+$0xF1D0];
	[tilespmem:s4+$0xF1E0] =	vst v8  }
0x133: {  	v8 =	vld [tilespmem:s12+$0xF1E0];
	[tilespmem:s4+$0xF1F0] =	vst v7  }
0x134: {  	v7 =	vld [tilespmem:s12+$0xF1F0];
	[tilespmem:s4+$0xF200] =	vst v2  }
0x135: {  	s8 =	sadd.s32 $0x1, s8;
	v2 =	vld [tilespmem:s12+$0xF200];
	[tilespmem:s4+$0xF210] =	vst v6  }
0x136: {  	s19 =	smulhi.u32 $0x51EB851F, s8;
	v6 =	vld [tilespmem:s12+$0xF210];
	[tilespmem:s4+$0xF220] =	vst v3  }
0x137: {  	v3 =	vld [tilespmem:s12+$0xF220];
	[tilespmem:s4+$0xF230] =	vst v4  }
0x138: {  	s19 =	sshrl.u32 s19, $0x4;
	v4 =	vld [tilespmem:s12+$0xF230];
	[tilespmem:s4+$0xF240] =	vst v5  }
0x139: {  	s19 =	smul.u32 $0xFFFE7000, s19;
	v5 =	vld [tilespmem:s12+$0xF240];
	[tilespmem:s4+$0xF250] =	vst v0  }
0x13a: {  	v0 =	vld [tilespmem:s12+$0xF250];
	[tilespmem:s4+$0xF260] =	vst v1;
	s4 =	smov.u32 s12  }
0x13b: {  	s18 =	sadd.s32 $0x200, s18;
	s12 =	sshra.s32 s19, $0x2;
	v1 =	vld [tilespmem:s4+$0xF260]  }
0x13c: {  	s31 =	sadd.s32 s12, s18;
	v18 =	vld [tilespmem:s4+$0xF270]  }
0x13d: {  	v32 =	vld [tilespmem:s31+$0xFFFFFF00]  }
0x13e: {  	v33 =	vld [tilespmem:s31+$0xFFFFFF10]  }
0x13f: {  	v34 =	vld [tilespmem:s31+$0xFFFFFF20]  }
0x140: {  	v35 =	vld [tilespmem:s31+$0xFFFFFF30]  }
0x141: {  	v36 =	vld [tilespmem:s31+$0xFFFFFF40]  }
0x142: {  	v37 =	vld [tilespmem:s31+$0xFFFFFF50];
	v24 =	vadd.f32 v32, v24  }
0x143: {  	v32 =	vld [tilespmem:s31+$0xFFFFFF60];
	v25 =	vadd.f32 v33, v25  }
0x144: {  	v33 =	vld [tilespmem:s31+$0xFFFFFF70];
	v20 =	vadd.f32 v34, v20  }
0x145: {  	v34 =	vld [tilespmem:s31+$0xFFFFFF80];
	v21 =	vadd.f32 v35, v21  }
0x146: {  	v35 =	vld [tilespmem:s31+$0xFFFFFF90];
	v19 =	vadd.f32 v36, v19  }
0x147: {  	v36 =	vld [tilespmem:s31+$0xFFFFFFA0];
	v22 =	vadd.f32 v37, v22  }
0x148: {  	v37 =	vld [tilespmem:s31+$0xFFFFFFB0];
	v23 =	vadd.f32 v32, v23  }
0x149: {  	v38 =	vld [tilespmem:s31+$0xFFFFFFC0];
	v26 =	vadd.f32 v33, v26  }
.Ltmp1:
0x14a: {  	v32 =	vld [tilespmem:s31+$0xFFFFFFD0];
	v27 =	vadd.f32 v34, v27;
	(pc) =	sbr.rel @p1 .LBB2_5-.Ltmp1, $4  }
0x14b: {  	v33 =	vld [tilespmem:s31+$0xFFFFFFE0];
	v28 =	vadd.f32 v35, v28  }
0x14c: {  	v34 =	vld [tilespmem:s31+$0xFFFFFFF0];
	v29 =	vadd.f32 v36, v29  }
0x14d: {  	v35 =	vld [tilespmem:s31+$0x0];
	v30 =	vadd.f32 v37, v30  }
0x14e: {  	s7 =	sadd.s32 $0x800, s7;
	v36 =	vld [tilespmem:s31+$0x10];
	v31 =	vadd.f32 v38, v31  }
0x14f: {  	v37 =	vld [tilespmem:s31+$0x20]  }
0x150: {  	v38 =	vld [tilespmem:s31+$0x30]  }
0x151: {  	v39 =	vld [tilespmem:s31+$0x40]  }
0x152: {  	v40 =	vld [tilespmem:s31+$0x50]  }
0x153: {  	v41 =	vld [tilespmem:s31+$0x60]  }
0x154: {  	v42 =	vld [tilespmem:s31+$0x70]  }
0x155: {  	v43 =	vld [tilespmem:s31+$0xF0]  }
0x156: {  	v44 =	vld [tilespmem:s31+$0x80]  }
0x157: {  	v45 =	vld [tilespmem:s31+$0x90]  }
0x158: {  	v46 =	vld [tilespmem:s31+$0xA0]  }
0x159: {  	v47 =	vld [tilespmem:s31+$0xB0]  }
0x15a: {  	v48 =	vld [tilespmem:s31+$0xC0]  }
0x15b: {  	v61 =	vld [tilespmem:s31+$0xD0]  }
0x15c: {  	v49 =	vld [tilespmem:s31+$0xE0];
	[tilespmem:s4+$0xF080] =	vst v24  }
0x15d: {  	[tilespmem:s4+$0xF090] =	vst v25  }
0x15e: {  	[tilespmem:s4+$0xF0A0] =	vst v20  }
0x15f: {  	[tilespmem:s4+$0xF0B0] =	vst v21  }
0x160: {  	[tilespmem:s4+$0xF0C0] =	vst v19  }
0x161: {  	[tilespmem:s4+$0xF0D0] =	vst v22  }
0x162: {  	[tilespmem:s4+$0xF0E0] =	vst v23  }
0x163: {  	[tilespmem:s4+$0xF0F0] =	vst v26  }
0x164: {  	[tilespmem:s4+$0xF100] =	vst v27  }
0x165: {  	[tilespmem:s4+$0xF110] =	vst v28  }
0x166: {  	[tilespmem:s4+$0xF120] =	vst v29  }
0x167: {  	v17 =	vadd.f32 v32, v17;
	[tilespmem:s4+$0xF130] =	vst v30  }
0x168: {  	v16 =	vadd.f32 v33, v16;
	[tilespmem:s4+$0xF140] =	vst v31  }
0x169: {  	v15 =	vadd.f32 v34, v15;
	[tilespmem:s4+$0xF150] =	vst v17  }
0x16a: {  	v14 =	vadd.f32 v35, v14;
	[tilespmem:s4+$0xF160] =	vst v16  }
0x16b: {  	v13 =	vadd.f32 v36, v13;
	[tilespmem:s4+$0xF170] =	vst v15  }
0x16c: {  	v18 =	vadd.f32 v43, v18;
	[tilespmem:s4+$0xF180] =	vst v14  }
0x16d: {  	v12 =	vadd.f32 v37, v12;
	[tilespmem:s4+$0xF190] =	vst v13  }
0x16e: {  	v11 =	vadd.f32 v38, v11;
	[tilespmem:s4+$0xF270] =	vst v18  }
0x16f: {  	v10 =	vadd.f32 v39, v10;
	[tilespmem:s4+$0xF1A0] =	vst v12  }
0x170: {  	v9 =	vadd.f32 v40, v9;
	[tilespmem:s4+$0xF1B0] =	vst v11  }
0x171: {  	v8 =	vadd.f32 v41, v8;
	[tilespmem:s4+$0xF1C0] =	vst v10  }
0x172: {  	v7 =	vadd.f32 v42, v7;
	[tilespmem:s4+$0xF1D0] =	vst v9  }
0x173: {  	v2 =	vadd.f32 v44, v2;
	[tilespmem:s4+$0xF1E0] =	vst v8  }
0x174: {  	v6 =	vadd.f32 v45, v6;
	[tilespmem:s4+$0xF1F0] =	vst v7  }
0x175: {  	v3 =	vadd.f32 v46, v3;
	[tilespmem:s4+$0xF200] =	vst v2  }
0x176: {  	s1 =	sadd.s32 $0x1, s1;
	v62 =	vadd.f32 v47, v4;
	[tilespmem:s4+$0xF210] =	vst v6  }
0x177: {  	s6 =	smul.u32 $0x3E8, s6;
	p1 =	sne.s32 s1, $0x19;
	v63 =	vadd.f32 v48, v5;
	[tilespmem:s4+$0xF220] =	vst v3  }
.Ltmp2:
0x178: {  	v0 =	vadd.f32 v61, v0;
	[tilespmem:s4+$0xF230] =	vst v62;
	(pc) =	sbr.rel @p1 .LBB2_2-.Ltmp2, $4  }
0x179: {  	s6 =	sor.u32 s5, s6;
	v1 =	vadd.f32 v49, v1;
	[tilespmem:s4+$0xF240] =	vst v63  }
0x17a: {  	s0 =	sadd.s32 $0x400000, s0;
	s10 =	sadd.s32 $0x800, s10;
	s6 =	sshrl.u32 s6, $0x3;
	[tilespmem:s4+$0xF250] =	vst v0  }
0x17b: {  	s30 =	sadd.s32 $0x100000, s30;
	s29 =	sadd.s32 $0x800, s29;
	s31 =	sadd.s32 s2, s6;
	[tilespmem:s4+$0xF260] =	vst v1  }
0x17c: {  	[hbm4b:s31+s16] =	stream.strided.scatter [tilespmem:s25], [sflag:$0x2], $0x8000, s17, s16, $0x38;
	[tilespmem:$0x1ED80] =	vst v63  }
0x17d: {  	_ =	swait.ge [sflag:s26], $0x8000  }
0x17e: {  	s28 =	sadd.s32 $0x1, s28;
	s0 =	rddreg [dreg:$0x8]  }
0x17f: {  	p1 =	sne.s32 s28, s0  }
.Ltmp3:
0x180: {  	_ = 	snop;
	(pc) =	sbr.rel @p1 .LBB2_1-.Ltmp3, $3  }
0x181: {  	_ =	sdelay $0x1  }
0x182: {  	[sflag:s26] =	ssyncset.done $0x0  }
0x183: {  	[sflag:s26] =	ssyncadd.s32 $0xFFFF8000  }
0x184: {  	_ =	sfence.sel $0x180000  }
0x185: {  	[bflag:$0x0] =	sbarrier.arrive $0xFFFF  }
0x186: {  	_ =	strace $0x90000047  }
0x187: {  	s0 =	stileid.u32;
	[bflag:$0x2] =	sbarrier.arrive $0xFFFF  }
0x188: {  	p0 =	sne.s32 s0, $0x0;
	s0 =	rddreg [dreg:$0x3]  }
0x189: {  	s0 =	sadd.s32 @!p0 $0x100000, s0  }
0x18a: {  	[sflag:s0] =	ssyncadd.tile.s32 @!p0 $0x1;
	_ =	shalt  }
.Lfunc_end2:
_tile_overlayer_lowered:
.L_overlay_start_2:
0x18b: {  	(tag) =	ssettag $0x2  }
0x18c: {  	s0 =	rddreg [dreg:$0x0];
	s2 =	stileid.u32  }
0x18d: {  	s1 =	rddreg [dreg:$0x1];
	p0 =	sne.s32 s2, $0x0  }
0x18e: {  	s3 =	rddreg [dreg:$0x2];
	[bflag:$0x3] =	sbarrier.arrive $0xFFFF;
	s2 =	simm.s32 @!p0 $0x1C03  }
0x18f: {  	[timem:s3], [sflag:s2] =	dma.local @!p0 [hbm:s0], s1  }
0x190: {  	s0 =	simm.s32 @!p0 $0x3  }
0x191: {  	_ =	swait.ge @!p0 [sflag:s0], s1  }
0x192: {  	s1 =	ssub.s32 @!p0 $0x0, s1;
	[sflag:s0] =	ssyncset.done @!p0 $0x0  }
0x193: {  	[sflag:s0] =	ssyncadd.s32 @!p0 s1  }
0x194: {  	[bflag:$0x3] =	sbarrier.arrive $0xFFFF  }
0x195: {  	_ =	shalt  }

// kernel: sparse-core-data-format-call.cloned.1.call-start
scs
called_computation_lowered:
.L_overlay_start_0:
0x0: {  	s2 =	sld [smem:$0x3FD9]  }
0x1: {  	s3 =	sld [smem:$0x3FFE];
	_ =	sdelay $0x1  }
0x2: {  	s1 =	srdreg.scid  }
0x3: {  	s0 =	sand.u32 $0x1, s1  }
0x4: {  	s18 =	sshll.u32 s0, $0xA;
	s2 =	sadd.s32 s3, s2  }
0x5: {  	s2 =	sadd.s32 s2, s18  }
0x6: {  	[smem:$0x3FC3] =	sst s2  }
0x7: {  	_ = 	snop  }
0x8: {  	s2 =	sld [smem:$0x3FD0];
	(tm) =	ssettm $0x1  }
0x9: {  	s19 =	sld [smem:$0x3FFB];
	_ =	sdelay $0x3  }
0xa: {  	_ =	strace s19  }
0xb: {  	s3 =	sld [smem:$0x3FFC];
	_ =	sdelay $0x3  }
0xc: {  	_ =	strace s3  }
0xd: {  	s3 =	sld [smem:$0x3FFD];
	_ =	sdelay $0x3  }
0xe: {  	_ =	strace s3  }
0xf: {  	_ =	strace $0x8FFFFFFF  }
0x10: {  	s20 =	sld [smem:$0x3FDB];
	_ =	sdelay $0x1  }
0x11: {  	s4 =	simm.s32 $_scs_section_size  }
0x12: {  	s5 =	simm.s32 $_size__tile_overlayer_lowered;
	s6 =	simm.s32 $_tile_overlayer_lowered  }
0x13: {  	s23 =	simm.s32 $0x1BFF;
	s22 =	sshll.u32 s6, $0x1;
	s3 =	sadd.s32 s4, s20  }
0x14: {  	s7 =	simm.s32 $0x0;
	s21 =	sshll.u32 s5, $0x1;
	s5 =	sadd.s32 s22, s3  }
0x15: {  	[timem:s7], [sflag:s23] =	dma.local [hbm:s5], s21  }
0x16: {  	_ =	swait.ge [sflag:s23], s21  }
0x17: {  	s4 =	ssub.s32 $0x0, s21;
	[sflag:s23] =	ssyncset.done $0x0  }
0x18: {  	[sflag:s23] =	ssyncadd.s32 s4;
	_ =	sdelay $0x1  }
0x19: {  	s24 =	simm.s32 $0x1B8B  }
0x1a: {  	_ =	swait.ge [sflag:s24], $0x1  }
0x1b: {  	[sflag:s24] =	ssyncset.done $0x0  }
0x1c: {  	s26 =	simm.s32 $0x1B8E;
	s25 =	sld [smem:$0x3FFE];
	[sflag:s24] =	ssyncadd.s32 $0xFFFFFFFF  }
0x1d: {  	s27 =	simm.s32 $execute0_lowered;
	[smem:$0x3FD2] =	sst s26  }
0x1e: {  	s5 =	sshll.u32 s27, $0x1;
	_ =	strace $0x80000049;
	[dreg:$0x1] =	wrdreg $0xFFFFFFFF  }
0x1f: {  	s28 =	simm.s32 $_size_execute0_lowered;
	s3 =	sadd.s32 s3, s5;
	[dreg:$0x0] =	wrdreg $0x0  }
0x20: {  	s5 =	sshll.u32 s28, $0x1;
	[dreg:$0x2] =	wrdreg s3  }
0x21: {  	[dreg:$0x3] =	wrdreg s5  }
0x22: {  	[dreg:$0x4] =	wrdreg $0xC0  }
0x23: {  	_ =	task [dreg:s7], $0x5FFFF  }
0x24: {  	[dreg:$0x1] =	wrdreg $0xFFFFFFFF  }
0x25: {  	[dreg:$0x0] =	wrdreg $0x60  }
0x26: {  	[dreg:$0x2] =	wrdreg s25  }
0x27: {  	[dreg:$0x3] =	wrdreg s2  }
0x28: {  	[dreg:$0x4] =	wrdreg $0x9  }
0x29: {  	_ =	task.clear_ibuf [dreg:s7], $0x5FFFF;
	_ =	strace $0x90000049  }
0x2a: {  	s29 =	simm.s32 $0x9;
	_ =	strace $0x8000004B  }
0x2b: {  	_ =	swait.ge [sflag:s29], $0x1  }
0x2c: {  	[sflag:s29] =	ssyncadd.s32 $0xFFFFFFFF  }
0x2d: {  	_ =	strace $0x9000004B  }
0x2e: {  	_ =	sfence  }
0x2f: {  	s30 =	sld [smem:$0x0];
	_ =	sdelay $0x2  }
0x30: {  	s31 =	sshll.u32 s1, $0xD;
	s1 =	sshrl.u32 s1, $0x2  }
0x31: {  	s3 =	sand.u32 $0x4000, s31;
	s1 =	sadd.s32 s1, s30  }
0x32: {  	s0 =	sor.u32 s3, s0;
	s1 =	sshll.u32 s1, $0x11  }
0x33: {  	s0 =	sor.u32 s1, s0  }
0x34: {  	s0 =	sadd.s32 $0x8F2B, s0  }
0x35: {  	[sflag:s0] =	ssyncadd.remote.s32 $0x1  }
0x36: {  	_ =	sfence.sel $0xFFFF  }
0x37: {  	[dreg:$0x0] =	wrdreg $0xFFFFFFFF;
	(pc) =	sbr.abs _section_cstart, $3  }
0x38: {  	[dreg:$0x1] =	wrdreg $0xFFFFFFFF  }
0x39: {  	_ =	task.clear_ibuf [dreg:s7], $0x2FFFF;
	_ =	strace $0x9FFFFFFF  }
0x3a: {  	(tm) =	ssettm $0x7FFFFFFF  }
0x3b: {  	_ =	shalt  }
tec
execute0_lowered:
.L_overlay_start_1:
0x0: {  	(tag) =	ssettag $0x1  }
0x1: {  	s4 =	rddreg [dreg:$0x0]  }
0x2: {  	s0 =	stileid.u32;
	s2 =	rddreg [dreg:$0x1]  }
0x3: {  	s7 =	srdreg.scid;
	s31 =	simm.s32 $0x2;
	s17 =	simm.s32 $0x0  }
0x4: {  	s9 =	simm.s32 $0x2000;
	s19 =	simm.s32 $0x0;
	s18 =	simm.s32 $0x0  }
0x5: {  	s10 =	simm.s32 $0x0;
	s11 =	simm.s32 $0x0;
	s1 =	sshll.u32 s0, $0x7  }
0x6: {  	s12 =	simm.s32 $0x0;
	s14 =	simm.s32 $0x0;
	s3 =	sand.u32 $0x380, s1  }
0x7: {  	s16 =	simm.s32 $0x0;
	s4 =	sadd.s32 $0xE00, s4;
	s5 =	ssub.s32 $0x400, s3  }
0x8: {  	s8 =	sshll.u32 s0, $0x4;
	s7 =	sshll.u32 s7, $0x8;
	s6 =	sand.u32 $0x380, s5  }
0x9: {  	s1 =	rddreg [dreg:$0x2];
	p0 =	sne.s32 s6, $0x0;
	s6 =	simm.s32 $0x1  }
.Ltmp0:
0xa: {  	s5 =	sshrl.u32 s5, $0xA;
	s6 =	simm.s32 @!p0 $0x0;
	(pc) =	sbr.rel .LBB1_1-.Ltmp0, $4  }
0xb: {  	_ =	strace $0x8000004A;
	s7 =	sor.u32 s8, s7;
	s6 =	sadd.s32 s6, s5  }
0xc: {  	s7 =	sand.u32 $0x180, s7;
	s5 =	simm.s32 $0x1;
	s6 =	smul.u32 $0x64, s6  }
0xd: {  	s15 =	smov.u32 s3;
	s13 =	smov.u32 s7;
	[sflag:s5] =	ssyncpa.u1 $0x0  }
0xe: {  	p0 =	por $0x0, $0x0;
	[sflag:s31] =	ssyncpa.u1 $0x0;
	s8 =	sor.u32 $0x1, s6  }
.LBB1_4:
0xf: {  	s25 =	sshll.u32 s10, $0xA;
	s24 =	sshra.s32 s24, $0x2;
	s26 =	sshll.u32 s12, $0x3  }
0x10: {  	p1 =	sgt.s32 s11, $0x31;
	s27 =	smov.u32 s11;
	s28 =	sshra.s32 s11, $0x1F  }
0x11: {  	p2 =	sgt.s32 s12, $0x380;
	s31 =	sshra.s32 s12, $0x1F;
	s25 =	sand.u32 $0xFFFFE000, s25  }
0x12: {  	s26 =	sand.u32 $0xFFFFFC00, s26;
	s27 =	simm.s32 @!p1 $0x31;
	s28 =	sand.u32 s28, s11  }
0x13: {  	[tilespmem:s22+$0x2040 ss:$0x81] =	vst.msk $0xffff, v4;
	s23 =	sadd.s32 s24, s23;
	s29 =	sadd.s32 s26, s25;
	s25 =	ssub.s32 s27, s28  }
0x14: {  	[tilespmem:s22+$0x2850 ss:$0x81] =	vst.msk $0xffff, v3;
	s27 =	smov.u32 s12;
	s28 =	smov.u32 s10;
	s26 =	sand.u32 s31, s12  }
0x15: {  	[tilespmem:s22+$0x3060 ss:$0x81] =	vst.msk $0xffff, v2;
	s24 =	sshrl.u32 s29, $0xA;
	s30 =	sadd.s32 $0xFFFFFFCF, s25;
	s27 =	simm.s32 @!p2 $0x380  }
0x16: {  	v5 =	vld [tilespmem:s21+$0xFFFFFFD0];
	[tilespmem:s22+$0x0 ss:$0x81] =	vst.msk $0xffff, v1;
	p2 =	sgt.s32 s10, $0x368;
	s29 =	sshra.s32 s10, $0x1F;
	s22 =	ssub.s32 $0x32, s25  }
0x17: {  	v58 =	vld [tilespmem:s21+$0xFFFFFFE0];
	p1 =	sgt.s32 s30, $0x0;
	s28 =	simm.s32 @!p2 $0x368;
	s29 =	sand.u32 s29, s10  }
0x18: {  	v59 =	vld [tilespmem:s21+$0xFFFFFFF0];
	s26 =	ssub.s32 s27, s26;
	s27 =	smulhi.u32 $0x418938, s24;
	s28 =	ssub.s32 s28, s29  }
0x19: {  	v60 =	vld [tilespmem:s21+$0x0];
	s30 =	sadd.s32 $0xFFFFFC80, s26;
	s25 =	ssub.s32 $0x400, s26;
	s22 =	simm.s32 @p1 $0x0  }
0x1a: {  	v61 =	vld [tilespmem:s21+$0x10];
	[tilespmem:s23+$0x3870 ss:$0x81] =	vst.msk $0xffff, v0;
	s29 =	sand.u32 $0x78, s12;
	p2 =	sgt.s32 s30, $0x7F;
	s31 =	sadd.s32 $0xFFFFFC98, s28  }
0x1b: {  	v62 =	vld [tilespmem:s21+$0x20];
	[tilespmem:s23+$0x810 ss:$0x81] =	vst.msk $0xffff, v5;
	s27 =	smul.u32 $0x3E8, s27;
	s30 =	sshll.u32 s10, $0x7;
	s28 =	ssub.s32 $0x3E8, s28  }
0x1c: {  	v63 =	vld [tilespmem:s21+$0xFFFFFFC0];
	[tilespmem:s23+$0x1020 ss:$0x81] =	vst.msk $0xffff, v58;
	s25 =	simm.s32 @p2 $0x0;
	p1 =	sgt.s32 s31, $0x7F;
	s31 =	smul.u32 $0x1F400, s11  }
0x1d: {  	[tilespmem:s23+$0x1830 ss:$0x81] =	vst.msk $0xffff, v59;
	s21 =	sand.u32 $0x380, s30;
	s22 =	smul.u32 s25, s22;
	s28 =	simm.s32 @p1 $0x0  }
0x1e: {  	[tilespmem:s23+$0x2040 ss:$0x81] =	vst.msk $0xffff, v60;
	s21 =	sor.u32 s29, s21;
	s24 =	ssub.s32 s24, s27;
	s29 =	sand.u32 $0x7, s12  }
0x1f: {  	[tilespmem:s23+$0x2850 ss:$0x81] =	vst.msk $0xffff, v61;
	s21 =	sshrl.u32 s21, $0x3;
	s25 =	sadd.s32 s2, s31;
	s22 =	smul.u32 s28, s22  }
0x20: {  	[tilespmem:s23+$0x3060 ss:$0x81] =	vst.msk $0xffff, v62;
	s24 =	sshll.u32 s24, $0x7;
	s30 =	sshll.u32 s29, $0x12;
	s21 =	sadd.s32 s21, s25  }
0x21: {  	[tilespmem:s23+$0x0 ss:$0x81] =	vst.msk $0xffff, v63;
	s31 =	sor.u32 $0x400, s30;
	s21 =	sadd.s32 s24, s21;
	s22 =	sand.u32 $0x3FFFFFFF, s22  }
0x22: {  	[hbm4b:s21+s31] =	stream.strided.scatter [tilespmem:s20], [sflag:$0x2], s22, s9, s31, $0x20;
	[tilespmem:$0x10100] =	vst v63  }
.LBB1_5:
0x23: {  	p1 =	slt.u32 s16, $0x2  }
0x24: {  	p2 =	sgt.s32 @!p1 s19, $0x31  }
0x25: {  	s20 =	smov.u32 s19;
	s21 =	sshra.s32 @!p1 s19, $0x1F;
	p2 =	por !p2, p1  }
0x26: {  	s19 =	sand.u32 @!p1 s21, s19;
	s20 =	simm.s32 @p2 $0x31  }
0x27: {  	p3 =	sgt.s32 @!p1 s17, $0x368;
	s19 =	ssub.s32 @!p1 s20, s19  }
0x28: {  	p4 =	sgt.s32 @!p1 s18, $0x380;
	s22 =	sshra.s32 @!p1 s18, $0x1F;
	s20 =	sadd.s32 @!p1 $0xFFFFFFCF, s19  }
0x29: {  	s21 =	smov.u32 s17;
	p2 =	sgt.s32 @!p1 s20, $0x0;
	s20 =	sshra.s32 @!p1 s17, $0x1F  }
0x2a: {  	p4 =	por !p4, p1;
	s17 =	sand.u32 @!p1 s20, s17;
	s20 =	smov.u32 s18  }
0x2b: {  	p3 =	por !p3, p1;
	s18 =	sand.u32 @!p1 s22, s18;
	s20 =	simm.s32 @p4 $0x380  }
0x2c: {  	s21 =	simm.s32 @p3 $0x368;
	s19 =	ssub.s32 @!p1 $0x32, s19;
	s18 =	ssub.s32 @!p1 s20, s18  }
0x2d: {  	p2 =	por !p2, p1;
	s17 =	ssub.s32 @!p1 s21, s17;
	s21 =	sadd.s32 @!p1 $0xFFFFFC80, s18  }
0x2e: {  	s19 =	simm.s32 @!p2 $0x0;
	p3 =	sgt.s32 @!p1 s21, $0x7F  }
0x2f: {  	s20 =	sadd.s32 @!p1 $0xFFFFFC98, s17;
	s18 =	ssub.s32 @!p1 $0x400, s18;
	p3 =	por !p3, p1  }
0x30: {  	p2 =	sgt.s32 @!p1 s20, $0x7F;
	s20 =	sadd.s32 $0x200, s13;
	s18 =	simm.s32 @!p3 $0x0  }
0x31: {  	p3 =	sgt.s32 s20, $0x3E7;
	s18 =	smul.u32 @!p1 s18, s19;
	s19 =	simm.s32 $0x1  }
0x32: {  	s17 =	ssub.s32 @!p1 $0x3E8, s17;
	p2 =	por !p2, p1;
	s19 =	simm.s32 @!p3 $0x0  }
0x33: {  	s22 =	smov.u32 s15;
	s17 =	simm.s32 @!p2 $0x0;
	s21 =	sadd.s32 s19, s14  }
0x34: {  	s17 =	smul.u32 @!p1 s17, s18;
	s18 =	sadd.s32 $0x400, s15;
	p2 =	sgt.s32 s21, $0x31  }
0x35: {  	p0 =	por !p0, !p0;
	s23 =	simm.s32 @!p1 $0x2;
	s22 =	smov.u32 @p2 s18  }
0x36: {  	s20 =	smov.u32 @p3 s7;
	s21 =	simm.s32 @p2 $0x0;
	p2 =	sgt.s32 s22, $0x3FF  }
0x37: {  	s19 =	smov.u32 s11;
	s22 =	smov.u32 @p2 s3;
	p2 =	sne.s32 s16, s8  }
.Ltmp1:
0x38: {  	s11 =	smov.u32 s14;
	s17 =	sand.u32 @!p1 $0x3FFFFFFF, s17;
	(pc) =	sbr.rel @!p2 .LBB1_6-.Ltmp1, $4  }
0x39: {  	s18 =	smov.u32 s12;
	s12 =	smov.u32 s15;
	_ =	swait.ge @!p1 [sflag:s23], s17  }
0x3a: {  	s24 =	ssub.s32 @!p1 $0x0, s17;
	s17 =	smov.u32 s10;
	s10 =	smov.u32 s13  }
0x3b: {  	s13 =	smov.u32 s20;
	s14 =	smov.u32 s21;
	[sflag:s23] =	ssyncset.done @!p1 $0x0  }
0x3c: {  	s16 =	sadd.s32 $0x1, s16;
	[sflag:s23] =	ssyncadd.s32 @!p1 s24;
	s15 =	smov.u32 s22  }
.LBB1_1:
0x3d: {  	p1 =	sge.u32 s16, s6  }
0x3e: {  	s20 =	sshll.u32 @!p1 s14, $0xA  }
0x3f: {  	s21 =	sshll.u32 @!p1 s13, $0x3;
	s20 =	sand.u32 @!p1 $0xFFFFE000, s20  }
0x40: {  	s20 =	sadd.s32 @!p1 s20, s21  }
0x41: {  	s20 =	sshrl.u32 @!p1 s20, $0xA  }
0x42: {  	s21 =	smulhi.u32 @!p1 $0x4924925, s20  }
0x43: {  	s22 =	sshll.u32 @!p1 s14, $0x7;
	s24 =	smul.u32 @!p1 $0x1C00, s15  }
0x44: {  	s23 =	sand.u32 @!p1 $0x78, s13;
	s22 =	sand.u32 @!p1 $0x380, s22;
	s21 =	smul.u32 @!p1 $0x38, s21  }
0x45: {  	s31 =	sadd.s32 $0xFFFFFFFF, s16;
	s22 =	sor.u32 @!p1 s23, s22;
	s23 =	sadd.s32 @!p1 s4, s24  }
0x46: {  	s22 =	sshrl.u32 @!p1 s22, $0x3;
	s20 =	ssub.s32 @!p1 s20, s21;
	s21 =	sxor.u32 @!p1 $0xFFFFFFFF, s16  }
0x47: {  	s22 =	sadd.s32 @!p1 s22, s23;
	s23 =	sand.u32 @!p1 $0x7, s13;
	s21 =	sshll.u32 @!p1 s21, $0xE  }
0x48: {  	s23 =	sshll.u32 @!p1 s23, $0x12;
	s20 =	sshll.u32 @!p1 s20, $0x7;
	s21 =	sand.u32 @!p1 $0x4000, s21  }
0x49: {  	s20 =	sadd.s32 @!p1 s20, s22;
	s22 =	sor.u32 @!p1 $0x80, s23;
	s23 =	simm.s32 @!p1 $0xE000  }
0x4a: {  	[tilespmem:s21], [sflag:$0x1] =	stream.strided.gather @!p1 [hbm4b:s20+s22], $0x4000, s23, s22, $0x38;
	[tilespmem:$0x10100] =	vst v63  }
0x4b: {  	p1 =	sge.u32 s31, s6  }
.Ltmp2:
0x4c: {  	_ = 	snop;
	(pc) =	sbr.rel @p1 .LBB1_5-.Ltmp2, $1  }
0x4d: {  	_ =	sdelay $0x3  }
0x4e: {  	s20 =	simm.s32 $0x1  }
0x4f: {  	_ =	swait.ge [sflag:s5], $0x4000;
	s20 =	simm.s32 @!p0 $0x0  }
0x50: {  	[sflag:s5] =	ssyncset.done $0x0;
	s21 =	sshll.u32 s20, $0xE  }
0x51: {  	[sflag:s5] =	ssyncadd.s32 $0xFFFFC000;
	s21 =	sor.u32 $0x40, s21  }
0x52: {  	s20 =	smul.u32 $0x10200, s20;
	v0 =	vld [tilespmem:s21+$0x30]  }
0x53: {  	v1 =	vld [tilespmem:s21+$0xFFFFFFD0]  }
0x54: {  	s20 =	sshrl.u32 s20, $0x2;
	v5 =	vld [tilespmem:s21+$0xFFFFFFE0]  }
0x55: {  	v6 =	vld [tilespmem:s21+$0xFFFFFFF0];
	s23 =	sor.u32 $0x8000, s20  }
0x56: {  	s31 =	sand.u32 $0x1, s16;
	v4 =	vld [tilespmem:s21+$0x0];
	s22 =	sadd.s32 $0x0, s23  }
0x57: {  	v3 =	vld [tilespmem:s21+$0x10];
	s20 =	smul.u32 $0x10200, s31;
	[tilespmem:s22+$0x3870 ss:$0x81] =	vst.msk $0xffff, v0  }
0x58: {  	v2 =	vld [tilespmem:s21+$0x20];
	[tilespmem:s22+$0x810 ss:$0x81] =	vst.msk $0xffff, v1  }
0x59: {  	s20 =	sshrl.u32 s20, $0x2;
	v1 =	vld [tilespmem:s21+$0xFFFFFFC0];
	[tilespmem:s22+$0x1020 ss:$0x81] =	vst.msk $0xffff, v5;
	s21 =	sadd.s32 $0x80, s21  }
0x5a: {  	s24 =	simm.s32 $0x4;
	s25 =	simm.s32 $0x8;
	s20 =	sor.u32 $0x8000, s20;
	[tilespmem:s22+$0x1830 ss:$0x81] =	vst.msk $0xffff, v6;
	v0 =	vld [tilespmem:s21+$0x30]  }
.LBB1_3:
0x5b: {  	p1 =	sne.s32 s25, $0x1FC;
	v5 =	vld [tilespmem:s21+$0xFFFFFFD0];
	[tilespmem:s22+$0x2040 ss:$0x81] =	vst.msk $0xffff, v4  }
0x5c: {  	v6 =	vld [tilespmem:s21+$0xFFFFFFE0];
	[tilespmem:s22+$0x2850 ss:$0x81] =	vst.msk $0xffff, v3  }
0x5d: {  	s26 =	sshra.s32 s24, $0x2;
	s24 =	smov.u32 s25;
	v7 =	vld [tilespmem:s21+$0xFFFFFFF0];
	[tilespmem:s22+$0x3060 ss:$0x81] =	vst.msk $0xffff, v2  }
.Ltmp3:
0x5e: {  	v4 =	vld [tilespmem:s21+$0x0];
	[tilespmem:s22+$0x0 ss:$0x81] =	vst.msk $0xffff, v1;
	s22 =	sadd.s32 s26, s23;
	(pc) =	sbr.rel @p1 .LBB1_3-.Ltmp3, $4  }
0x5f: {  	v3 =	vld [tilespmem:s21+$0x10];
	[tilespmem:s22+$0x3870 ss:$0x81] =	vst.msk $0xffff, v0  }
0x60: {  	[tilespmem:s22+$0x810 ss:$0x81] =	vst.msk $0xffff, v5;
	v2 =	vld [tilespmem:s21+$0x20]  }
0x61: {  	v1 =	vld [tilespmem:s21+$0xFFFFFFC0];
	[tilespmem:s22+$0x1020 ss:$0x81] =	vst.msk $0xffff, v6;
	s21 =	sadd.s32 $0x80, s21  }
0x62: {  	s25 =	sadd.s32 $0x4, s25;
	v0 =	vld [tilespmem:s21+$0x30];
	[tilespmem:s22+$0x1830 ss:$0x81] =	vst.msk $0xffff, v7  }
.Ltmp4:
0x63: {  	_ = 	snop;
	(pc) =	sbr.rel .LBB1_4-.Ltmp4, $1  }
0x64: {  	_ =	sdelay $0x3  }
.LBB1_6:
0x65: {  	_ =	sfence.sel $0x180000  }
0x66: {  	s2 =	simm.s32 $0x1;
	[bflag:$0x0] =	sbarrier.arrive $0xFFFF  }
0x67: {  	s31 =	simm.s32 $0x2;
	[sflag:s2] =	ssyncpa.u1 $0x1  }
0x68: {  	[sflag:s31] =	ssyncpa.u1 $0x1  }
0x69: {  	p0 =	sne.s32 s0, $0x0;
	_ =	strace $0x9000004A  }
0x6a: {  	s0 =	sadd.s32 @!p0 $0x100000, s1;
	[bflag:$0x2] =	sbarrier.arrive $0xFFFF  }
0x6b: {  	[sflag:s0] =	ssyncadd.tile.s32 @!p0 $0x1;
	_ =	shalt  }
.Lfunc_end1:
_tile_overlayer_lowered:
.L_overlay_start_2:
0x6c: {  	(tag) =	ssettag $0x2  }
0x6d: {  	s0 =	rddreg [dreg:$0x0];
	s2 =	stileid.u32  }
0x6e: {  	s1 =	rddreg [dreg:$0x1];
	p0 =	sne.s32 s2, $0x0  }
0x6f: {  	s3 =	rddreg [dreg:$0x2];
	[bflag:$0x3] =	sbarrier.arrive $0xFFFF;
	s2 =	simm.s32 @!p0 $0x1C01  }
0x70: {  	[timem:s3], [sflag:s2] =	dma.local @!p0 [hbm:s0], s1  }
0x71: {  	s0 =	simm.s32 @!p0 $0x1  }
0x72: {  	_ =	swait.ge @!p0 [sflag:s0], s1  }
0x73: {  	s1 =	ssub.s32 @!p0 $0x0, s1;
	[sflag:s0] =	ssyncset.done @!p0 $0x0  }
0x74: {  	[sflag:s0] =	ssyncadd.s32 @!p0 s1  }
0x75: {  	[bflag:$0x3] =	sbarrier.arrive $0xFFFF  }
0x76: {  	_ =	shalt  }

</sc_bundles>
